<compile_context>
chip_gen: v7x
topology: tpu7x:2x2x1
jax: 0.10.2.dev20260603
libtpu: 0.0.44.dev20260713+nightly
codegen_flags: <defaults>
</compile_context>

<pallas_src>
import functools

import jax
import jax.numpy as jnp
from jax import lax
from jax.experimental import pallas as pl
from jax.experimental.pallas import tpu as pltpu
from jax.experimental.pallas import tpu_sc as plsc

_EPS = 1e-08
_INF = 3.0e38



def _recip_sel(d):
    one = jnp.float32(1.0)
    zero = jnp.float32(0.0)
    m1 = jnp.min(d, axis=0, keepdims=True)
    eq1 = d == m1
    m2 = jnp.min(jnp.where(eq1, _INF, d), axis=0, keepdims=True)
    eq2 = d == m2
    le2 = d <= m2
    m3 = jnp.min(jnp.where(le2, _INF, d), axis=0, keepdims=True)
    eq3 = d == m3
    c12 = jnp.sum(jnp.where(le2, one, zero), axis=0, keepdims=True)
    b1 = 1.0 / (m1 + _EPS)
    b2 = 1.0 / (m2 + _EPS)
    b3 = jnp.where(c12 >= 3.0, zero, 1.0 / (m3 + _EPS))
    return jnp.where(eq1, b1, jnp.where(eq2, b2, jnp.where(eq3, b3, zero)))


def _stage1_body(d_ref, l1t_ref, l2t_ref, w0_ref, b0_ref, w1_ref, b1_ref,
                 ht_ref):
    d = d_ref[0]
    sel = _recip_sel(d)
    c2f = l2t_ref.shape[1] - 8
    raw = jnp.dot(l2t_ref[0], sel, preferred_element_type=jnp.float32)
    inv = 1.0 / (raw[c2f:c2f + 1] + _EPS)
    intert = raw[:c2f] * inv
    featt = jnp.concatenate([l1t_ref[0], intert], axis=0)
    h1 = jnp.maximum(
        jnp.dot(w0_ref[...], featt, preferred_element_type=jnp.float32)
        + b0_ref[...], 0.0)
    h2 = jnp.maximum(
        jnp.dot(w1_ref[...], h1, preferred_element_type=jnp.float32)
        + b1_ref[...], 0.0)
    ht_ref[0] = h2



def _topk_idx_body(d_ref, idx_ref, w_ref):
    b = pl.program_id(0)
    d = d_ref[0]
    srows = d.shape[0]
    row = lax.broadcasted_iota(jnp.int32, d.shape, 0)
    dm = d
    vals, idxs = [], []
    for _ in range(3):
        m = jnp.min(dm, axis=0, keepdims=True)
        i = jnp.min(jnp.where(dm == m, row, srows), axis=0, keepdims=True)
        vals.append(m)
        idxs.append(i)
        dm = jnp.where(row == i, _INF, dm)
    r = [1.0 / (v + _EPS) for v in vals]
    norm = r[0] + r[1] + r[2]
    for j in range(3):
        idx_ref[j, 0] = idxs[j] + b * srows
        w_ref[j, 0] = r[j] / (norm + _EPS)



def _make_sc_gather(NR, D, NQ3, chunk):
    info = plsc.get_sparse_core_info()
    nw = info.num_cores * info.num_subcores
    per_w = NQ3 // nw
    nchunks = per_w // chunk
    mesh = plsc.VectorSubcoreMesh(core_axis_name="c", subcore_axis_name="s")

    @functools.partial(
        pl.kernel, mesh=mesh,
        out_type=jax.ShapeDtypeStruct((NQ3, D), jnp.float32),
        scratch_types=[
            pltpu.VMEM((chunk,), jnp.int32),
            pltpu.VMEM((chunk, D), jnp.float32),
            pltpu.SemaphoreType.DMA,
        ],
    )
    def k(table_hbm, idx_hbm, out_hbm, idx_v, rows_v, sem):
        wid = lax.axis_index("s") * info.num_cores + lax.axis_index("c")
        base = wid * per_w

        def chunk_body(ci, carry):
            cbase = base + ci * chunk
            pltpu.sync_copy(idx_hbm.at[pl.ds(cbase, chunk)], idx_v)
            pltpu.async_copy(table_hbm.at[idx_v], rows_v, sem).wait()
            pltpu.sync_copy(rows_v, out_hbm.at[pl.ds(cbase, chunk)])
            return carry

        lax.fori_loop(0, nchunks, chunk_body, 0)

    return k



def _mlp_body(radar_ref, g0_ref, g1_ref, g2_ref, w0_ref, w1_ref, w2_ref,
              wt0_ref, b0_ref, wt1_ref, b1_ref, out_ref):
    interp = (g0_ref[0, 0] * w0_ref[0, 0].T
              + g1_ref[0, 0] * w1_ref[0, 0].T
              + g2_ref[0, 0] * w2_ref[0, 0].T)
    feat = jnp.concatenate([radar_ref[0], interp], axis=1)
    o1 = jnp.maximum(
        jnp.dot(feat, wt0_ref[...], preferred_element_type=jnp.float32)
        + b0_ref[...], 0.0)
    o2 = jnp.maximum(
        jnp.dot(o1, wt1_ref[...], preferred_element_type=jnp.float32)
        + b1_ref[...], 0.0)
    out_ref[0] = o2.T


def kernel(radar_feat, l1_cls_feat, l2_cls_feat, l0_to_l1, l1_to_l2,
           W21_0, b21_0, W21_1, b21_1, W10_0, b10_0, W10_1, b10_1):
    B, N0, C0 = radar_feat.shape
    _, N1, C1 = l1_cls_feat.shape
    _, N2, C2 = l2_cls_feat.shape

    l1t = jnp.transpose(l1_cls_feat, (0, 2, 1))
    l2t = jnp.transpose(l2_cls_feat, (0, 2, 1))
    l2t_aug = jnp.concatenate(
        [l2t, jnp.ones((B, 8, N2), jnp.float32)], axis=1)
    b21_0r = b21_0.reshape(-1, 1)
    b21_1r = b21_1.reshape(-1, 1)

    Q1 = 1024
    H = W21_1.shape[0]
    ht = pl.pallas_call(
        _stage1_body,
        grid=(B, N1 // Q1),
        in_specs=[
            pl.BlockSpec((1, N2, Q1), lambda b, q: (b, 0, q)),
            pl.BlockSpec((1, C1, Q1), lambda b, q: (b, 0, q)),
            pl.BlockSpec((1, C2 + 8, N2), lambda b, q: (b, 0, 0)),
            pl.BlockSpec(W21_0.shape, lambda b, q: (0, 0)),
            pl.BlockSpec((H, 1), lambda b, q: (0, 0)),
            pl.BlockSpec(W21_1.shape, lambda b, q: (0, 0)),
            pl.BlockSpec((H, 1), lambda b, q: (0, 0)),
        ],
        out_specs=pl.BlockSpec((1, H, Q1), lambda b, q: (b, 0, q)),
        out_shape=jax.ShapeDtypeStruct((B, H, N1), jnp.float32),
        compiler_params=pltpu.CompilerParams(
            dimension_semantics=("arbitrary", "arbitrary")),
    )(l1_to_l2, l1t, l2t_aug, W21_0, b21_0r, W21_1, b21_1r)

    table = jnp.transpose(ht, (0, 2, 1)).reshape(B * N1, H)

    Qk = 1024
    idx, w = pl.pallas_call(
        _topk_idx_body,
        grid=(B, N0 // Qk),
        in_specs=[pl.BlockSpec((1, N1, Qk), lambda b, q: (b, 0, q))],
        out_specs=[
            pl.BlockSpec((3, 1, 1, Qk), lambda b, q: (0, b, 0, q)),
            pl.BlockSpec((3, 1, 1, Qk), lambda b, q: (0, b, 0, q)),
        ],
        out_shape=[
            jax.ShapeDtypeStruct((3, B, 1, N0), jnp.int32),
            jax.ShapeDtypeStruct((3, B, 1, N0), jnp.float32),
        ],
        compiler_params=pltpu.CompilerParams(
            dimension_semantics=("arbitrary", "arbitrary")),
    )(l0_to_l1)

    NQ = B * N0
    idx_flat = idx.reshape(3 * NQ)
    w4 = w
    gath = _make_sc_gather(B * N1, H, 3 * NQ, 64)(table, idx_flat)
    gath = gath.reshape(3, B, N0, H)

    w10_0t = W10_0.T
    w10_1t = W10_1.T
    b10_0r = b10_0.reshape(1, -1)
    b10_1r = b10_1.reshape(1, -1)
    CO = W10_1.shape[0]
    Qm = 512
    out = pl.pallas_call(
        _mlp_body,
        grid=(B, N0 // Qm),
        in_specs=[
            pl.BlockSpec((1, Qm, C0), lambda b, q: (b, q, 0)),
            pl.BlockSpec((1, 1, Qm, H), lambda b, q: (0, b, q, 0)),
            pl.BlockSpec((1, 1, Qm, H), lambda b, q: (1, b, q, 0)),
            pl.BlockSpec((1, 1, Qm, H), lambda b, q: (2, b, q, 0)),
            pl.BlockSpec((1, 1, 1, Qm), lambda b, q: (0, b, 0, q)),
            pl.BlockSpec((1, 1, 1, Qm), lambda b, q: (1, b, 0, q)),
            pl.BlockSpec((1, 1, 1, Qm), lambda b, q: (2, b, 0, q)),
            pl.BlockSpec(w10_0t.shape, lambda b, q: (0, 0)),
            pl.BlockSpec((1, H), lambda b, q: (0, 0)),
            pl.BlockSpec(w10_1t.shape, lambda b, q: (0, 0)),
            pl.BlockSpec((1, CO), lambda b, q: (0, 0)),
        ],
        out_specs=pl.BlockSpec((1, CO, Qm), lambda b, q: (b, 0, q)),
        out_shape=jax.ShapeDtypeStruct((B, CO, N0), jnp.float32),
        compiler_params=pltpu.CompilerParams(
            dimension_semantics=("arbitrary", "arbitrary")),
    )(radar_feat, gath, gath, gath, w4, w4, w4,
      w10_0t, b10_0r, w10_1t, b10_1r)
    return out

# --- scband reference (transcript-rebuilt; emitter-appended) ---
"""Pipeline reference for scband-feature-propogate-45964740001826 (READ-ONLY COPY).

The authoritative reference and input builder live on the scoring server;
editing this copy changes nothing except your own understanding.
"""

import jax, jax.numpy as jnp
import numpy as np


def setup_inputs(seed: int = 0) -> dict:
    key = jax.random.key(seed)
    ks = jax.random.split(key, 16)
    B, N0, N1, N2 = 2, 8192, 2048, 512
    radar_feat = jax.random.normal(ks[0], (B, N0, 64), dtype=jnp.float32)
    l1_cls_feat = jax.random.normal(ks[1], (B, N1, 64), dtype=jnp.float32)
    l2_cls_feat = jax.random.normal(ks[2], (B, N2, 256), dtype=jnp.float32)
    l0_to_l1 = jax.random.uniform(ks[3], (B, N1, N0), dtype=jnp.float32)
    l1_to_l2 = jax.random.uniform(ks[4], (B, N2, N1), dtype=jnp.float32)
    W21_0 = jax.random.normal(ks[5], (640, 320), dtype=jnp.float32) * 0.02
    b21_0 = jnp.zeros((640,), dtype=jnp.float32)
    W21_1 = jax.random.normal(ks[6], (640, 640), dtype=jnp.float32) * 0.02
    b21_1 = jnp.zeros((640,), dtype=jnp.float32)
    W10_0 = jax.random.normal(ks[7], (640, 704), dtype=jnp.float32) * 0.02
    b10_0 = jnp.zeros((640,), dtype=jnp.float32)
    W10_1 = jax.random.normal(ks[8], (768, 640), dtype=jnp.float32) * 0.02
    b10_1 = jnp.zeros((768,), dtype=jnp.float32)
    return {
        'radar_feat': radar_feat,
        'l1_cls_feat': l1_cls_feat,
        'l2_cls_feat': l2_cls_feat,
        'l0_to_l1': l0_to_l1,
        'l1_to_l2': l1_to_l2,
        'W21_0': W21_0, 'b21_0': b21_0, 'W21_1': W21_1, 'b21_1': b21_1,
        'W10_0': W10_0, 'b10_0': b10_0, 'W10_1': W10_1, 'b10_1': b10_1,
    }


def reference(radar_feat, l1_cls_feat, l2_cls_feat, l0_to_l1, l1_to_l2,
              W21_0, b21_0, W21_1, b21_1, W10_0, b10_0, W10_1, b10_1):
    eps = 1e-08
    k = 3

    def index_points(points, idx):
        # points: [B, S, C], idx: [B, N, k] -> [B, N, k, C]
        return jax.vmap(lambda p, i: p[i])(points, idx)

    def interp(low_feat, dmap):
        # dmap: [B, N, S]; take k smallest distances, inverse-distance weight
        sorted_weights = jnp.sort(dmap, axis=-1)[:, :, :k]
        sorted_idx = jnp.argsort(dmap, axis=-1)[:, :, :k]
        dist_recip = 1.0 / (sorted_weights + eps)
        norm = jnp.sum(dist_recip, axis=2, keepdims=True)
        weight = dist_recip / (norm + eps)
        gathered = index_points(low_feat, sorted_idx)
        return jnp.sum(gathered * weight[..., None], axis=2)

    # interpolated_fq == 2 branch
    d12 = jnp.transpose(l1_to_l2, (0, 2, 1))  # [B, N1, N2]
    inter = interp(l2_cls_feat, d12)            # [B, N1, 256]
    feat = jnp.concatenate([l1_cls_feat, inter], axis=2)  # [B, N1, 320]
    # mlp_2_1: pointwise conv (kernel=1) + ReLU stack, 320 -> 640 -> 640
    h = jax.nn.relu(jnp.einsum('bnc,oc->bno', feat, W21_0) + b21_0)
    h = jax.nn.relu(jnp.einsum('bnc,oc->bno', h, W21_1) + b21_1)  # [B, N1, 640]
    d01 = jnp.transpose(l0_to_l1, (0, 2, 1))  # [B, N0, N1]
    interpolated_feat = interp(h, d01)          # [B, N0, 640]
    new_points = jnp.concatenate([radar_feat, interpolated_feat], axis=-1)  # [B, N0, 704]
    o = jax.nn.relu(jnp.einsum('bnc,oc->bno', new_points, W10_0) + b10_0)
    o = jax.nn.relu(jnp.einsum('bnc,oc->bno', o, W10_1) + b10_1)  # [B, N0, 768]
    # original leaves mlp_1_0 output in [B, C, N] layout
    return jnp.transpose(o, (0, 2, 1))

if __name__ == "__main__":
    import jax
    _d = setup_inputs()
    print(jax.jit(kernel)(*tuple(_d.values())))

</pallas_src>

<mosaic_0001>
#map = affine_map<(d0, d1) -> (0, 0)>
#map1 = affine_map<(d0, d1) -> (0)>
module attributes {stable_mosaic.version = 14 : i64} {
  func.func @k(%arg0: i32, %arg1: i32, %arg2: memref<4096x640xf32, #tpu.memory_space<hbm>>, %arg3: memref<49152xi32, #tpu.memory_space<hbm>>, %arg4: memref<49152x640xf32, #tpu.memory_space<hbm>>, %arg5: memref<64xi32, #tpu.memory_space<vmem>>, %arg6: memref<64x640xf32, #tpu.memory_space<vmem>>, %arg7: memref<!tpu.dma_semaphore, #tpu.memory_space<semaphore_mem>>) attributes {dimension_semantics = [#tpu.dimension_semantics<core_parallel>, #tpu.dimension_semantics<subcore_parallel>], iteration_bounds = array<i64: 2, 16>, scalar_prefetch = 0 : i64, scratch_operands = 3 : i64, tpu.core_type = #tpu.core_type<sc_vector_subcore>, window_params = [{transform_indices = #map}, {transform_indices = #map1}, {transform_indices = #map}]} {
    %mul3A = arith.constant 2 : i32
    %mul3A_0 = arith.muli %arg1, %mul3A : i32
    %add3A = arith.addi %mul3A_0, %arg0 : i32
    %mul3A_1 = arith.constant 1536 : i32
    %mul3A_2 = arith.muli %add3A, %mul3A_1 : i32
    %scan3A = arith.constant 0 : i32
    %scan3A_3 = arith.constant 0 : i32
    %scan3A_4 = arith.constant 24 : i32
    %scan3A_5 = arith.addi %scan3A_3, %scan3A_4 : i32
    %scan3A_6 = arith.constant 1 : i32
    scf.for %scan3A_8 = %scan3A_3 to %scan3A_5 step %scan3A_6  : i32 {
      %mul3A_9 = arith.constant 64 : i32
      %mul3A_10 = arith.muli %scan3A_8, %mul3A_9 : i32
      %add3A_11 = arith.addi %mul3A_2, %mul3A_10 : i32
      "tpu.region"() ({
        %run_scoped3A = tpu.sem_alloc : memref<!tpu.dma_semaphore, #tpu.memory_space<semaphore_mem>>
        %dma_start3A_16 = tpu.memref_slice %arg3[%add3A_11] : memref<49152xi32, #tpu.memory_space<hbm>> -> memref<64xi32, #tpu.memory_space<hbm>>
        %dma_start3A_17 = tpu.memref_slice %arg3[%add3A_11] : memref<49152xi32, #tpu.memory_space<hbm>> -> memref<64xi32, #tpu.memory_space<hbm>>
        tpu.enqueue_dma source(%dma_start3A_17 : memref<64xi32, #tpu.memory_space<hbm>>) target(%arg5 : memref<64xi32, #tpu.memory_space<vmem>>) target_semaphore(%run_scoped3A : memref<!tpu.dma_semaphore, #tpu.memory_space<semaphore_mem>>)
        %dma_wait3A_18 = tpu.memref_slice %arg3[%add3A_11] : memref<49152xi32, #tpu.memory_space<hbm>> -> memref<64xi32, #tpu.memory_space<hbm>>
        %dma_wait3A_19 = tpu.memref_slice %arg3[%add3A_11] : memref<49152xi32, #tpu.memory_space<hbm>> -> memref<64xi32, #tpu.memory_space<hbm>>
        tpu.wait_dma2 semaphore(%run_scoped3A : memref<!tpu.dma_semaphore, #tpu.memory_space<semaphore_mem>>) src(%dma_wait3A_19 : memref<64xi32, #tpu.memory_space<hbm>>) dst(%arg5 : memref<64xi32, #tpu.memory_space<vmem>>)
        tpu.yield
      }) : () -> ()
      %dma_start3A = arith.constant 0 : i32
      %dma_start3A_12 = arith.constant 0 : i32
      %dma_start3A_13 = tpu.memref_slice %arg2[%dma_start3A, %dma_start3A_12] : memref<4096x640xf32, #tpu.memory_space<hbm>> -> memref<4096x640xf32, #tpu.memory_space<hbm>>
      tpu.enqueue_indirect_dma source(%dma_start3A_13 : memref<4096x640xf32, #tpu.memory_space<hbm>>) target(%arg6 : memref<64x640xf32, #tpu.memory_space<vmem>>) offsets(%arg5 : memref<64xi32, #tpu.memory_space<vmem>>) semaphore(%arg7 : memref<!tpu.dma_semaphore, #tpu.memory_space<semaphore_mem>>)
      %dma_wait3A = arith.constant 0 : i32
      %dma_wait3A_14 = arith.constant 0 : i32
      %dma_wait3A_15 = tpu.memref_slice %arg2[%dma_wait3A, %dma_wait3A_14] : memref<4096x640xf32, #tpu.memory_space<hbm>> -> memref<4096x640xf32, #tpu.memory_space<hbm>>
      tpu.wait_indirect_dma semaphore(%arg7 : memref<!tpu.dma_semaphore, #tpu.memory_space<semaphore_mem>>) src(%dma_wait3A_15 : memref<4096x640xf32, #tpu.memory_space<hbm>>) dst(%arg6 : memref<64x640xf32, #tpu.memory_space<vmem>>)
      "tpu.region"() ({
        %run_scoped3A = tpu.sem_alloc : memref<!tpu.dma_semaphore, #tpu.memory_space<semaphore_mem>>
        %dma_start3A_16 = arith.constant 0 : i32
        %dma_start3A_17 = tpu.memref_slice %arg4[%add3A_11, %dma_start3A_16] : memref<49152x640xf32, #tpu.memory_space<hbm>> -> memref<64x640xf32, #tpu.memory_space<hbm>>
        %dma_start3A_18 = arith.constant 0 : i32
        %dma_start3A_19 = tpu.memref_slice %arg4[%add3A_11, %dma_start3A_18] : memref<49152x640xf32, #tpu.memory_space<hbm>> -> memref<64x640xf32, #tpu.memory_space<hbm>>
        tpu.enqueue_dma source(%arg6 : memref<64x640xf32, #tpu.memory_space<vmem>>) target(%dma_start3A_19 : memref<64x640xf32, #tpu.memory_space<hbm>>) target_semaphore(%run_scoped3A : memref<!tpu.dma_semaphore, #tpu.memory_space<semaphore_mem>>)
        %dma_wait3A_20 = arith.constant 0 : i32
        %dma_wait3A_21 = tpu.memref_slice %arg4[%add3A_11, %dma_wait3A_20] : memref<49152x640xf32, #tpu.memory_space<hbm>> -> memref<64x640xf32, #tpu.memory_space<hbm>>
        %dma_wait3A_22 = arith.constant 0 : i32
        %dma_wait3A_23 = tpu.memref_slice %arg4[%add3A_11, %dma_wait3A_22] : memref<49152x640xf32, #tpu.memory_space<hbm>> -> memref<64x640xf32, #tpu.memory_space<hbm>>
        tpu.wait_dma2 semaphore(%run_scoped3A : memref<!tpu.dma_semaphore, #tpu.memory_space<semaphore_mem>>) src(%arg6 : memref<64x640xf32, #tpu.memory_space<vmem>>) dst(%dma_wait3A_23 : memref<64x640xf32, #tpu.memory_space<hbm>>)
        tpu.yield
      }) : () -> ()
    }
    %scan3A_7 = arith.constant 24 : i32
    return
  }
}

module attributes {stable_mosaic.version = 14 : i64} {
  func.func @_topk_idx_body(%arg0: i32, %arg1: i32, %arg2: memref<1x2048x1024xf32, #tpu.memory_space<vmem>>, %arg3: memref<3x1x1x1024xi32, #tpu.memory_space<vmem>>, %arg4: memref<3x1x1x1024xf32, #tpu.memory_space<vmem>>) attributes {dimension_semantics = [#tpu.dimension_semantics<arbitrary>, #tpu.dimension_semantics<arbitrary>], iteration_bounds = array<i64: 2, 8>, scalar_prefetch = 0 : i64, scratch_operands = 0 : i64, tpu.core_type = #tpu.core_type<tc>, window_params = [{transform_indices = @transform_0, window_bounds = array<i64: 1, 2048, 1024>}, {transform_indices = @transform_1, window_bounds = array<i64: 3, 1, 1, 1024>}, {transform_indices = @transform_2, window_bounds = array<i64: 3, 1, 1, 1024>}]} {
    %get3A = arith.constant 0 : index
    %get3A_0 = arith.constant 0 : index
    %get3A_1 = arith.constant 0 : index
    %get3A_2 = vector.load %arg2[%get3A, %get3A_0, %get3A_1] : memref<1x2048x1024xf32, #tpu.memory_space<vmem>>, vector<1x2048x1024xf32>
    %get3A_3 = vector.shape_cast %get3A_2 : vector<1x2048x1024xf32> to vector<2048x1024xf32>
    %iota3A = tpu.iota {dimensions = array<i32: 0>} : vector<2048x1024xi32>
    %reduce_min3A = arith.constant dense<0x7F800000> : vector<1024xf32>
    %reduce_min3A_4 = vector.multi_reduction <minimumf>, %get3A_3, %reduce_min3A [0] : vector<2048x1024xf32> to vector<1024xf32>
    %broadcast_in_dim3A = vector.shape_cast %reduce_min3A_4 : vector<1024xf32> to vector<1x1024xf32>
    %eq3A = vector.broadcast %broadcast_in_dim3A : vector<1x1024xf32> to vector<2048x1024xf32>
    %eq3A_5 = arith.cmpf oeq, %get3A_3, %eq3A : vector<2048x1024xf32>
    %jit3A = arith.constant 2048 : i32
    %broadcast_in_dim3A_6 = vector.broadcast %jit3A : i32 to vector<2048x1024xi32>
    %select_n3A = arith.select %eq3A_5, %iota3A, %broadcast_in_dim3A_6 : vector<2048x1024xi1>, vector<2048x1024xi32>
    %reduce_min3A_7 = arith.constant dense<2147483647> : vector<1024xi32>
    %reduce_min3A_8 = vector.multi_reduction <minsi>, %select_n3A, %reduce_min3A_7 [0] : vector<2048x1024xi32> to vector<1024xi32>
    %broadcast_in_dim3A_9 = vector.shape_cast %reduce_min3A_8 : vector<1024xi32> to vector<1x1024xi32>
    %eq3A_10 = vector.broadcast %broadcast_in_dim3A_9 : vector<1x1024xi32> to vector<2048x1024xi32>
    %eq3A_11 = arith.cmpi eq, %iota3A, %eq3A_10 : vector<2048x1024xi32>
    %jit3A_12 = arith.constant 3.000000e+38 : f32
    %broadcast_in_dim3A_13 = vector.broadcast %jit3A_12 : f32 to vector<2048x1024xf32>
    %select_n3A_14 = arith.select %eq3A_11, %broadcast_in_dim3A_13, %get3A_3 : vector<2048x1024xi1>, vector<2048x1024xf32>
    %reduce_min3A_15 = arith.constant dense<0x7F800000> : vector<1024xf32>
    %reduce_min3A_16 = vector.multi_reduction <minimumf>, %select_n3A_14, %reduce_min3A_15 [0] : vector<2048x1024xf32> to vector<1024xf32>
    %broadcast_in_dim3A_17 = vector.shape_cast %reduce_min3A_16 : vector<1024xf32> to vector<1x1024xf32>
    %eq3A_18 = vector.broadcast %broadcast_in_dim3A_17 : vector<1x1024xf32> to vector<2048x1024xf32>
    %eq3A_19 = arith.cmpf oeq, %select_n3A_14, %eq3A_18 : vector<2048x1024xf32>
    %jit3A_20 = arith.constant 2048 : i32
    %broadcast_in_dim3A_21 = vector.broadcast %jit3A_20 : i32 to vector<2048x1024xi32>
    %select_n3A_22 = arith.select %eq3A_19, %iota3A, %broadcast_in_dim3A_21 : vector<2048x1024xi1>, vector<2048x1024xi32>
    %reduce_min3A_23 = arith.constant dense<2147483647> : vector<1024xi32>
    %reduce_min3A_24 = vector.multi_reduction <minsi>, %select_n3A_22, %reduce_min3A_23 [0] : vector<2048x1024xi32> to vector<1024xi32>
    %broadcast_in_dim3A_25 = vector.shape_cast %reduce_min3A_24 : vector<1024xi32> to vector<1x1024xi32>
    %eq3A_26 = vector.broadcast %broadcast_in_dim3A_25 : vector<1x1024xi32> to vector<2048x1024xi32>
    %eq3A_27 = arith.cmpi eq, %iota3A, %eq3A_26 : vector<2048x1024xi32>
    %jit3A_28 = arith.constant 3.000000e+38 : f32
    %broadcast_in_dim3A_29 = vector.broadcast %jit3A_28 : f32 to vector<2048x1024xf32>
    %select_n3A_30 = arith.select %eq3A_27, %broadcast_in_dim3A_29, %select_n3A_14 : vector<2048x1024xi1>, vector<2048x1024xf32>
    %reduce_min3A_31 = arith.constant dense<0x7F800000> : vector<1024xf32>
    %reduce_min3A_32 = vector.multi_reduction <minimumf>, %select_n3A_30, %reduce_min3A_31 [0] : vector<2048x1024xf32> to vector<1024xf32>
    %broadcast_in_dim3A_33 = vector.shape_cast %reduce_min3A_32 : vector<1024xf32> to vector<1x1024xf32>
    %eq3A_34 = vector.broadcast %broadcast_in_dim3A_33 : vector<1x1024xf32> to vector<2048x1024xf32>
    %eq3A_35 = arith.cmpf oeq, %select_n3A_30, %eq3A_34 : vector<2048x1024xf32>
    %jit3A_36 = arith.constant 2048 : i32
    %broadcast_in_dim3A_37 = vector.broadcast %jit3A_36 : i32 to vector<2048x1024xi32>
    %select_n3A_38 = arith.select %eq3A_35, %iota3A, %broadcast_in_dim3A_37 : vector<2048x1024xi1>, vector<2048x1024xi32>
    %reduce_min3A_39 = arith.constant dense<2147483647> : vector<1024xi32>
    %reduce_min3A_40 = vector.multi_reduction <minsi>, %select_n3A_38, %reduce_min3A_39 [0] : vector<2048x1024xi32> to vector<1024xi32>
    %broadcast_in_dim3A_41 = vector.shape_cast %reduce_min3A_40 : vector<1024xi32> to vector<1x1024xi32>
    %add3A = arith.constant 9.99999993E-9 : f32
    %add3A_42 = vector.broadcast %add3A : f32 to vector<1x1024xf32>
    %add3A_43 = arith.addf %broadcast_in_dim3A, %add3A_42 : vector<1x1024xf32>
    %div3A = arith.constant 1.000000e+00 : f32
    %div3A_44 = vector.broadcast %div3A : f32 to vector<1x1024xf32>
    %div3A_45 = arith.divf %div3A_44, %add3A_43 : vector<1x1024xf32>
    %add3A_46 = arith.constant 9.99999993E-9 : f32
    %add3A_47 = vector.broadcast %add3A_46 : f32 to vector<1x1024xf32>
    %add3A_48 = arith.addf %broadcast_in_dim3A_17, %add3A_47 : vector<1x1024xf32>
    %div3A_49 = arith.constant 1.000000e+00 : f32
    %div3A_50 = vector.broadcast %div3A_49 : f32 to vector<1x1024xf32>
    %div3A_51 = arith.divf %div3A_50, %add3A_48 : vector<1x1024xf32>
    %add3A_52 = arith.constant 9.99999993E-9 : f32
    %add3A_53 = vector.broadcast %add3A_52 : f32 to vector<1x1024xf32>
    %add3A_54 = arith.addf %broadcast_in_dim3A_33, %add3A_53 : vector<1x1024xf32>
    %div3A_55 = arith.constant 1.000000e+00 : f32
    %div3A_56 = vector.broadcast %div3A_55 : f32 to vector<1x1024xf32>
    %div3A_57 = arith.divf %div3A_56, %add3A_54 : vector<1x1024xf32>
    %add3A_58 = arith.addf %div3A_45, %div3A_51 : vector<1x1024xf32>
    %add3A_59 = arith.addf %add3A_58, %div3A_57 : vector<1x1024xf32>
    %mul3A = arith.constant 2048 : i32
    %mul3A_60 = arith.muli %arg0, %mul3A : i32
    %add3A_61 = vector.broadcast %mul3A_60 : i32 to vector<1x1024xi32>
    %add3A_62 = arith.addi %broadcast_in_dim3A_9, %add3A_61 : vector<1x1024xi32>
    %swap3A = arith.constant 0 : index
    %swap3A_63 = arith.constant 0 : index
    %swap3A_64 = arith.constant 0 : index
    %swap3A_65 = arith.constant 0 : index
    %swap3A_66 = vector.load %arg3[%swap3A, %swap3A_63, %swap3A_64, %swap3A_65] : memref<3x1x1x1024xi32, #tpu.memory_space<vmem>>, vector<1x1x1x1024xi32>
    %swap3A_67 = vector.shape_cast %swap3A_66 : vector<1x1x1x1024xi32> to vector<1x1024xi32>
    %swap3A_68 = vector.shape_cast %add3A_62 : vector<1x1024xi32> to vector<1x1x1x1024xi32>
    tpu.vector_store %arg3[%swap3A, %swap3A_63, %swap3A_64, %swap3A_65], %swap3A_68 {strides = array<i32>} : memref<3x1x1x1024xi32, #tpu.memory_space<vmem>>, vector<1x1x1x1024xi32>,
    %add3A_69 = arith.constant 9.99999993E-9 : f32
    %add3A_70 = vector.broadcast %add3A_69 : f32 to vector<1x1024xf32>
    %add3A_71 = arith.addf %add3A_59, %add3A_70 : vector<1x1024xf32>
    %div3A_72 = arith.divf %div3A_45, %add3A_71 : vector<1x1024xf32>
    %swap3A_73 = arith.constant 0 : index
    %swap3A_74 = arith.constant 0 : index
    %swap3A_75 = arith.constant 0 : index
    %swap3A_76 = arith.constant 0 : index
    %swap3A_77 = vector.load %arg4[%swap3A_73, %swap3A_74, %swap3A_75, %swap3A_76] : memref<3x1x1x1024xf32, #tpu.memory_space<vmem>>, vector<1x1x1x1024xf32>
    %swap3A_78 = vector.shape_cast %swap3A_77 : vector<1x1x1x1024xf32> to vector<1x1024xf32>
    %swap3A_79 = vector.shape_cast %div3A_72 : vector<1x1024xf32> to vector<1x1x1x1024xf32>
    tpu.vector_store %arg4[%swap3A_73, %swap3A_74, %swap3A_75, %swap3A_76], %swap3A_79 {strides = array<i32>} : memref<3x1x1x1024xf32, #tpu.memory_space<vmem>>, vector<1x1x1x1024xf32>,
    %mul3A_80 = arith.constant 2048 : i32
    %mul3A_81 = arith.muli %arg0, %mul3A_80 : i32
    %add3A_82 = vector.broadcast %mul3A_81 : i32 to vector<1x1024xi32>
    %add3A_83 = arith.addi %broadcast_in_dim3A_25, %add3A_82 : vector<1x1024xi32>
    %swap3A_84 = arith.constant 1 : index
    %swap3A_85 = arith.constant 0 : index
    %swap3A_86 = arith.constant 0 : index
    %swap3A_87 = arith.constant 0 : index
    %swap3A_88 = vector.load %arg3[%swap3A_84, %swap3A_85, %swap3A_86, %swap3A_87] : memref<3x1x1x1024xi32, #tpu.memory_space<vmem>>, vector<1x1x1x1024xi32>
    %swap3A_89 = vector.shape_cast %swap3A_88 : vector<1x1x1x1024xi32> to vector<1x1024xi32>
    %swap3A_90 = vector.shape_cast %add3A_83 : vector<1x1024xi32> to vector<1x1x1x1024xi32>
    tpu.vector_store %arg3[%swap3A_84, %swap3A_85, %swap3A_86, %swap3A_87], %swap3A_90 {strides = array<i32>} : memref<3x1x1x1024xi32, #tpu.memory_space<vmem>>, vector<1x1x1x1024xi32>,
    %add3A_91 = arith.constant 9.99999993E-9 : f32
    %add3A_92 = vector.broadcast %add3A_91 : f32 to vector<1x1024xf32>
    %add3A_93 = arith.addf %add3A_59, %add3A_92 : vector<1x1024xf32>
    %div3A_94 = arith.divf %div3A_51, %add3A_93 : vector<1x1024xf32>
    %swap3A_95 = arith.constant 1 : index
    %swap3A_96 = arith.constant 0 : index
    %swap3A_97 = arith.constant 0 : index
    %swap3A_98 = arith.constant 0 : index
    %swap3A_99 = vector.load %arg4[%swap3A_95, %swap3A_96, %swap3A_97, %swap3A_98] : memref<3x1x1x1024xf32, #tpu.memory_space<vmem>>, vector<1x1x1x1024xf32>
    %swap3A_100 = vector.shape_cast %swap3A_99 : vector<1x1x1x1024xf32> to vector<1x1024xf32>
    %swap3A_101 = vector.shape_cast %div3A_94 : vector<1x1024xf32> to vector<1x1x1x1024xf32>
    tpu.vector_store %arg4[%swap3A_95, %swap3A_96, %swap3A_97, %swap3A_98], %swap3A_101 {strides = array<i32>} : memref<3x1x1x1024xf32, #tpu.memory_space<vmem>>, vector<1x1x1x1024xf32>,
    %mul3A_102 = arith.constant 2048 : i32
    %mul3A_103 = arith.muli %arg0, %mul3A_102 : i32
    %add3A_104 = vector.broadcast %mul3A_103 : i32 to vector<1x1024xi32>
    %add3A_105 = arith.addi %broadcast_in_dim3A_41, %add3A_104 : vector<1x1024xi32>
    %swap3A_106 = arith.constant 2 : index
    %swap3A_107 = arith.constant 0 : index
    %swap3A_108 = arith.constant 0 : index
    %swap3A_109 = arith.constant 0 : index
    %swap3A_110 = vector.load %arg3[%swap3A_106, %swap3A_107, %swap3A_108, %swap3A_109] : memref<3x1x1x1024xi32, #tpu.memory_space<vmem>>, vector<1x1x1x1024xi32>
    %swap3A_111 = vector.shape_cast %swap3A_110 : vector<1x1x1x1024xi32> to vector<1x1024xi32>
    %swap3A_112 = vector.shape_cast %add3A_105 : vector<1x1024xi32> to vector<1x1x1x1024xi32>
    tpu.vector_store %arg3[%swap3A_106, %swap3A_107, %swap3A_108, %swap3A_109], %swap3A_112 {strides = array<i32>} : memref<3x1x1x1024xi32, #tpu.memory_space<vmem>>, vector<1x1x1x1024xi32>,
    %add3A_113 = arith.constant 9.99999993E-9 : f32
    %add3A_114 = vector.broadcast %add3A_113 : f32 to vector<1x1024xf32>
    %add3A_115 = arith.addf %add3A_59, %add3A_114 : vector<1x1024xf32>
    %div3A_116 = arith.divf %div3A_57, %add3A_115 : vector<1x1024xf32>
    %swap3A_117 = arith.constant 2 : index
    %swap3A_118 = arith.constant 0 : index
    %swap3A_119 = arith.constant 0 : index
    %swap3A_120 = arith.constant 0 : index
    %swap3A_121 = vector.load %arg4[%swap3A_117, %swap3A_118, %swap3A_119, %swap3A_120] : memref<3x1x1x1024xf32, #tpu.memory_space<vmem>>, vector<1x1x1x1024xf32>
    %swap3A_122 = vector.shape_cast %swap3A_121 : vector<1x1x1x1024xf32> to vector<1x1024xf32>
    %swap3A_123 = vector.shape_cast %div3A_116 : vector<1x1024xf32> to vector<1x1x1x1024xf32>
    tpu.vector_store %arg4[%swap3A_117, %swap3A_118, %swap3A_119, %swap3A_120], %swap3A_123 {strides = array<i32>} : memref<3x1x1x1024xf32, #tpu.memory_space<vmem>>, vector<1x1x1x1024xf32>,
    return
  }
  func.func @transform_0(%arg0: i32, %arg1: i32) -> (i32, i32, i32) {
    %c0_i32 = arith.constant 0 : i32
    %c0_i32_0 = arith.constant 0 : i32
    return %arg0, %c0_i32, %arg1 : i32, i32, i32
  }
  func.func @transform_1(%arg0: i32, %arg1: i32) -> (i32, i32, i32, i32) {
    %c0_i32 = arith.constant 0 : i32
    %c0_i32_0 = arith.constant 0 : i32
    %c0_i32_1 = arith.constant 0 : i32
    return %c0_i32, %arg0, %c0_i32_0, %arg1 : i32, i32, i32, i32
  }
  func.func @transform_2(%arg0: i32, %arg1: i32) -> (i32, i32, i32, i32) {
    %c0_i32 = arith.constant 0 : i32
    %c0_i32_0 = arith.constant 0 : i32
    %c0_i32_1 = arith.constant 0 : i32
    return %c0_i32, %arg0, %c0_i32_0, %arg1 : i32, i32, i32, i32
  }
}

module attributes {stable_mosaic.version = 14 : i64} {
  func.func @_stage1_body(%arg0: i32, %arg1: i32, %arg2: memref<1x512x1024xf32, #tpu.memory_space<vmem>>, %arg3: memref<1x64x1024xf32, #tpu.memory_space<vmem>>, %arg4: memref<1x264x512xf32, #tpu.memory_space<vmem>>, %arg5: memref<640x320xf32, #tpu.memory_space<vmem>>, %arg6: memref<640x1xf32, #tpu.memory_space<vmem>>, %arg7: memref<640x640xf32, #tpu.memory_space<vmem>>, %arg8: memref<640x1xf32, #tpu.memory_space<vmem>>, %arg9: memref<1x640x1024xf32, #tpu.memory_space<vmem>>) attributes {dimension_semantics = [#tpu.dimension_semantics<arbitrary>, #tpu.dimension_semantics<arbitrary>], iteration_bounds = array<i64: 2, 2>, scalar_prefetch = 0 : i64, scratch_operands = 0 : i64, tpu.core_type = #tpu.core_type<tc>, window_params = [{transform_indices = @transform_0, window_bounds = array<i64: 1, 512, 1024>}, {transform_indices = @transform_1, window_bounds = array<i64: 1, 64, 1024>}, {transform_indices = @transform_2, window_bounds = array<i64: 1, 264, 512>}, {pipeline_mode = #tpu.pipeline_mode<synchronous>, transform_indices = @transform_3, window_bounds = array<i64: 640, 320>}, {pipeline_mode = #tpu.pipeline_mode<synchronous>, transform_indices = @transform_4, window_bounds = array<i64: 640, 1>}, {pipeline_mode = #tpu.pipeline_mode<synchronous>, transform_indices = @transform_5, window_bounds = array<i64: 640, 640>}, {pipeline_mode = #tpu.pipeline_mode<synchronous>, transform_indices = @transform_6, window_bounds = array<i64: 640, 1>}, {transform_indices = @transform_7, window_bounds = array<i64: 1, 640, 1024>}]} {
    %get3A = arith.constant 0 : index
    %get3A_0 = arith.constant 0 : index
    %get3A_1 = arith.constant 0 : index
    %get3A_2 = vector.load %arg2[%get3A, %get3A_0, %get3A_1] : memref<1x512x1024xf32, #tpu.memory_space<vmem>>, vector<1x512x1024xf32>
    %get3A_3 = vector.shape_cast %get3A_2 : vector<1x512x1024xf32> to vector<512x1024xf32>
    %reduce_min3A = arith.constant dense<0x7F800000> : vector<1024xf32>
    %reduce_min3A_4 = vector.multi_reduction <minimumf>, %get3A_3, %reduce_min3A [0] : vector<512x1024xf32> to vector<1024xf32>
    %broadcast_in_dim3A = vector.shape_cast %reduce_min3A_4 : vector<1024xf32> to vector<1x1024xf32>
    %eq3A = vector.broadcast %broadcast_in_dim3A : vector<1x1024xf32> to vector<512x1024xf32>
    %eq3A_5 = arith.cmpf oeq, %get3A_3, %eq3A : vector<512x1024xf32>
    %jit3A = arith.constant 3.000000e+38 : f32
    %broadcast_in_dim3A_6 = vector.broadcast %jit3A : f32 to vector<512x1024xf32>
    %select_n3A = arith.select %eq3A_5, %broadcast_in_dim3A_6, %get3A_3 : vector<512x1024xi1>, vector<512x1024xf32>
    %reduce_min3A_7 = arith.constant dense<0x7F800000> : vector<1024xf32>
    %reduce_min3A_8 = vector.multi_reduction <minimumf>, %select_n3A, %reduce_min3A_7 [0] : vector<512x1024xf32> to vector<1024xf32>
    %broadcast_in_dim3A_9 = vector.shape_cast %reduce_min3A_8 : vector<1024xf32> to vector<1x1024xf32>
    %eq3A_10 = vector.broadcast %broadcast_in_dim3A_9 : vector<1x1024xf32> to vector<512x1024xf32>
    %eq3A_11 = arith.cmpf oeq, %get3A_3, %eq3A_10 : vector<512x1024xf32>
    %le3A = vector.broadcast %broadcast_in_dim3A_9 : vector<1x1024xf32> to vector<512x1024xf32>
    %le3A_12 = arith.cmpf ole, %get3A_3, %le3A : vector<512x1024xf32>
    %jit3A_13 = arith.constant 3.000000e+38 : f32
    %broadcast_in_dim3A_14 = vector.broadcast %jit3A_13 : f32 to vector<512x1024xf32>
    %select_n3A_15 = arith.select %le3A_12, %broadcast_in_dim3A_14, %get3A_3 : vector<512x1024xi1>, vector<512x1024xf32>
    %reduce_min3A_16 = arith.constant dense<0x7F800000> : vector<1024xf32>
    %reduce_min3A_17 = vector.multi_reduction <minimumf>, %select_n3A_15, %reduce_min3A_16 [0] : vector<512x1024xf32> to vector<1024xf32>
    %broadcast_in_dim3A_18 = vector.shape_cast %reduce_min3A_17 : vector<1024xf32> to vector<1x1024xf32>
    %eq3A_19 = vector.broadcast %broadcast_in_dim3A_18 : vector<1x1024xf32> to vector<512x1024xf32>
    %eq3A_20 = arith.cmpf oeq, %get3A_3, %eq3A_19 : vector<512x1024xf32>
    %jit3A_21 = arith.constant 1.000000e+00 : f32
    %jit3A_22 = arith.constant 0.000000e+00 : f32
    %broadcast_in_dim3A_23 = vector.broadcast %jit3A_21 : f32 to vector<512x1024xf32>
    %broadcast_in_dim3A_24 = vector.broadcast %jit3A_22 : f32 to vector<512x1024xf32>
    %select_n3A_25 = arith.select %le3A_12, %broadcast_in_dim3A_23, %broadcast_in_dim3A_24 : vector<512x1024xi1>, vector<512x1024xf32>
    %reduce_sum3A = arith.constant dense<0.000000e+00> : vector<1024xf32>
    %reduce_sum3A_26 = vector.multi_reduction <add>, %select_n3A_25, %reduce_sum3A [0] : vector<512x1024xf32> to vector<1024xf32>
    %broadcast_in_dim3A_27 = vector.shape_cast %reduce_sum3A_26 : vector<1024xf32> to vector<1x1024xf32>
    %add3A = arith.constant 9.99999993E-9 : f32
    %add3A_28 = vector.broadcast %add3A : f32 to vector<1x1024xf32>
    %add3A_29 = arith.addf %broadcast_in_dim3A, %add3A_28 : vector<1x1024xf32>
    %div3A = arith.constant 1.000000e+00 : f32
    %div3A_30 = vector.broadcast %div3A : f32 to vector<1x1024xf32>
    %div3A_31 = arith.divf %div3A_30, %add3A_29 : vector<1x1024xf32>
    %add3A_32 = arith.constant 9.99999993E-9 : f32
    %add3A_33 = vector.broadcast %add3A_32 : f32 to vector<1x1024xf32>
    %add3A_34 = arith.addf %broadcast_in_dim3A_9, %add3A_33 : vector<1x1024xf32>
    %div3A_35 = arith.constant 1.000000e+00 : f32
    %div3A_36 = vector.broadcast %div3A_35 : f32 to vector<1x1024xf32>
    %div3A_37 = arith.divf %div3A_36, %add3A_34 : vector<1x1024xf32>
    %ge3A = arith.constant 3.000000e+00 : f32
    %ge3A_38 = vector.broadcast %ge3A : f32 to vector<1x1024xf32>
    %ge3A_39 = arith.cmpf oge, %broadcast_in_dim3A_27, %ge3A_38 : vector<1x1024xf32>
    %add3A_40 = arith.constant 9.99999993E-9 : f32
    %add3A_41 = vector.broadcast %add3A_40 : f32 to vector<1x1024xf32>
    %add3A_42 = arith.addf %broadcast_in_dim3A_18, %add3A_41 : vector<1x1024xf32>
    %div3A_43 = arith.constant 1.000000e+00 : f32
    %div3A_44 = vector.broadcast %div3A_43 : f32 to vector<1x1024xf32>
    %div3A_45 = arith.divf %div3A_44, %add3A_42 : vector<1x1024xf32>
    %jit3A_46 = arith.constant 0.000000e+00 : f32
    %broadcast_in_dim3A_47 = vector.broadcast %jit3A_46 : f32 to vector<1x1024xf32>
    %select_n3A_48 = arith.select %ge3A_39, %broadcast_in_dim3A_47, %div3A_45 : vector<1x1024xi1>, vector<1x1024xf32>
    %jit3A_49 = arith.constant 0.000000e+00 : f32
    %broadcast_in_dim3A_50 = vector.shape_cast %select_n3A_48 : vector<1x1024xf32> to vector<1x1024xf32>
    %broadcast_in_dim3A_51 = vector.broadcast %broadcast_in_dim3A_50 : vector<1x1024xf32> to vector<512x1024xf32>
    %broadcast_in_dim3A_52 = vector.broadcast %jit3A_49 : f32 to vector<512x1024xf32>
    %select_n3A_53 = arith.select %eq3A_20, %broadcast_in_dim3A_51, %broadcast_in_dim3A_52 : vector<512x1024xi1>, vector<512x1024xf32>
    %broadcast_in_dim3A_54 = vector.shape_cast %div3A_37 : vector<1x1024xf32> to vector<1x1024xf32>
    %broadcast_in_dim3A_55 = vector.broadcast %broadcast_in_dim3A_54 : vector<1x1024xf32> to vector<512x1024xf32>
    %select_n3A_56 = arith.select %eq3A_11, %broadcast_in_dim3A_55, %select_n3A_53 : vector<512x1024xi1>, vector<512x1024xf32>
    %broadcast_in_dim3A_57 = vector.shape_cast %div3A_31 : vector<1x1024xf32> to vector<1x1024xf32>
    %broadcast_in_dim3A_58 = vector.broadcast %broadcast_in_dim3A_57 : vector<1x1024xf32> to vector<512x1024xf32>
    %select_n3A_59 = arith.select %eq3A_5, %broadcast_in_dim3A_58, %select_n3A_56 : vector<512x1024xi1>, vector<512x1024xf32>
    %get3A_60 = arith.constant 0 : index
    %get3A_61 = arith.constant 0 : index
    %get3A_62 = arith.constant 0 : index
    %get3A_63 = vector.load %arg4[%get3A_60, %get3A_61, %get3A_62] : memref<1x264x512xf32, #tpu.memory_space<vmem>>, vector<1x264x512xf32>
    %get3A_64 = vector.shape_cast %get3A_63 : vector<1x264x512xf32> to vector<264x512xf32>
    %dot_general3A = arith.constant dense<0.000000e+00> : vector<264x1024xf32>
    %dot_general3A_65 = tpu.matmul %get3A_64, %select_n3A_59, %dot_general3A {dimension_numbers = #tpu.dot_dimension_numbers<[1], [0], [0], [1], [0, 0, 1, 1], [], []>, transpose_lhs_hint = false} : vector<264x512xf32>, vector<512x1024xf32>, vector<264x1024xf32> -> vector<264x1024xf32>
    %slice3A = vector.extract_strided_slice %dot_general3A_65 {offsets = [256, 0], sizes = [1, 1024], strides = [1, 1]} : vector<264x1024xf32> to vector<1x1024xf32>
    %add3A_66 = arith.constant 9.99999993E-9 : f32
    %add3A_67 = vector.broadcast %add3A_66 : f32 to vector<1x1024xf32>
    %add3A_68 = arith.addf %slice3A, %add3A_67 : vector<1x1024xf32>
    %div3A_69 = arith.constant 1.000000e+00 : f32
    %div3A_70 = vector.broadcast %div3A_69 : f32 to vector<1x1024xf32>
    %div3A_71 = arith.divf %div3A_70, %add3A_68 : vector<1x1024xf32>
    %slice3A_72 = vector.extract_strided_slice %dot_general3A_65 {offsets = [0, 0], sizes = [256, 1024], strides = [1, 1]} : vector<264x1024xf32> to vector<256x1024xf32>
    %mul3A = vector.broadcast %div3A_71 : vector<1x1024xf32> to vector<256x1024xf32>
    %mul3A_73 = arith.mulf %slice3A_72, %mul3A : vector<256x1024xf32>
    %get3A_74 = arith.constant 0 : index
    %get3A_75 = arith.constant 0 : index
    %get3A_76 = arith.constant 0 : index
    %get3A_77 = vector.load %arg3[%get3A_74, %get3A_75, %get3A_76] : memref<1x64x1024xf32, #tpu.memory_space<vmem>>, vector<1x64x1024xf32>
    %get3A_78 = vector.shape_cast %get3A_77 : vector<1x64x1024xf32> to vector<64x1024xf32>
    %concatenate3A = tpu.concatenate %get3A_78, %mul3A_73 in 0 : vector<64x1024xf32>, vector<256x1024xf32> -> vector<320x1024xf32>
    %get3A_79 = arith.constant 0 : index
    %get3A_80 = arith.constant 0 : index
    %get3A_81 = vector.load %arg5[%get3A_79, %get3A_80] : memref<640x320xf32, #tpu.memory_space<vmem>>, vector<640x320xf32>
    %dot_general3A_82 = arith.constant dense<0.000000e+00> : vector<640x1024xf32>
    %dot_general3A_83 = tpu.matmul %get3A_81, %concatenate3A, %dot_general3A_82 {dimension_numbers = #tpu.dot_dimension_numbers<[1], [0], [0], [1], [0, 0, 1, 1], [], []>, transpose_lhs_hint = false} : vector<640x320xf32>, vector<320x1024xf32>, vector<640x1024xf32> -> vector<640x1024xf32>
    %get3A_84 = arith.constant 0 : index
    %get3A_85 = arith.constant 0 : index
    %get3A_86 = vector.load %arg6[%get3A_84, %get3A_85] : memref<640x1xf32, #tpu.memory_space<vmem>>, vector<640x1xf32>
    %add3A_87 = vector.broadcast %get3A_86 : vector<640x1xf32> to vector<640x1024xf32>
    %add3A_88 = arith.addf %dot_general3A_83, %add3A_87 : vector<640x1024xf32>
    %max3A = arith.constant 0.000000e+00 : f32
    %max3A_89 = vector.broadcast %max3A : f32 to vector<640x1024xf32>
    %max3A_90 = arith.maximumf %add3A_88, %max3A_89 : vector<640x1024xf32>
    %get3A_91 = arith.constant 0 : index
    %get3A_92 = arith.constant 0 : index
    %get3A_93 = vector.load %arg7[%get3A_91, %get3A_92] : memref<640x640xf32, #tpu.memory_space<vmem>>, vector<640x640xf32>
    %dot_general3A_94 = arith.constant dense<0.000000e+00> : vector<640x1024xf32>
    %dot_general3A_95 = tpu.matmul %get3A_93, %max3A_90, %dot_general3A_94 {dimension_numbers = #tpu.dot_dimension_numbers<[1], [0], [0], [1], [0, 0, 1, 1], [], []>, transpose_lhs_hint = false} : vector<640x640xf32>, vector<640x1024xf32>, vector<640x1024xf32> -> vector<640x1024xf32>
    %get3A_96 = arith.constant 0 : index
    %get3A_97 = arith.constant 0 : index
    %get3A_98 = vector.load %arg8[%get3A_96, %get3A_97] : memref<640x1xf32, #tpu.memory_space<vmem>>, vector<640x1xf32>
    %add3A_99 = vector.broadcast %get3A_98 : vector<640x1xf32> to vector<640x1024xf32>
    %add3A_100 = arith.addf %dot_general3A_95, %add3A_99 : vector<640x1024xf32>
    %max3A_101 = arith.constant 0.000000e+00 : f32
    %max3A_102 = vector.broadcast %max3A_101 : f32 to vector<640x1024xf32>
    %max3A_103 = arith.maximumf %add3A_100, %max3A_102 : vector<640x1024xf32>
    %swap3A = arith.constant 0 : index
    %swap3A_104 = arith.constant 0 : index
    %swap3A_105 = arith.constant 0 : index
    %swap3A_106 = vector.load %arg9[%swap3A, %swap3A_104, %swap3A_105] : memref<1x640x1024xf32, #tpu.memory_space<vmem>>, vector<1x640x1024xf32>
    %swap3A_107 = vector.shape_cast %swap3A_106 : vector<1x640x1024xf32> to vector<640x1024xf32>
    %swap3A_108 = vector.shape_cast %max3A_103 : vector<640x1024xf32> to vector<1x640x1024xf32>
    tpu.vector_store %arg9[%swap3A, %swap3A_104, %swap3A_105], %swap3A_108 {strides = array<i32>} : memref<1x640x1024xf32, #tpu.memory_space<vmem>>, vector<1x640x1024xf32>,
    return
  }
  func.func @transform_0(%arg0: i32, %arg1: i32) -> (i32, i32, i32) {
    %c0_i32 = arith.constant 0 : i32
    %c0_i32_0 = arith.constant 0 : i32
    return %arg0, %c0_i32, %arg1 : i32, i32, i32
  }
  func.func @transform_1(%arg0: i32, %arg1: i32) -> (i32, i32, i32) {
    %c0_i32 = arith.constant 0 : i32
    %c0_i32_0 = arith.constant 0 : i32
    return %arg0, %c0_i32, %arg1 : i32, i32, i32
  }
  func.func @transform_2(%arg0: i32, %arg1: i32) -> (i32, i32, i32) {
    %c0_i32 = arith.constant 0 : i32
    %c0_i32_0 = arith.constant 0 : i32
    %c0_i32_1 = arith.constant 0 : i32
    return %arg0, %c0_i32, %c0_i32_0 : i32, i32, i32
  }
  func.func @transform_3(%arg0: i32, %arg1: i32) -> (i32, i32) {
    %c0_i32 = arith.constant 0 : i32
    %c0_i32_0 = arith.constant 0 : i32
    %c0_i32_1 = arith.constant 0 : i32
    return %c0_i32, %c0_i32_0 : i32, i32
  }
  func.func @transform_4(%arg0: i32, %arg1: i32) -> (i32, i32) {
    %c0_i32 = arith.constant 0 : i32
    %c0_i32_0 = arith.constant 0 : i32
    %c0_i32_1 = arith.constant 0 : i32
    return %c0_i32, %c0_i32_0 : i32, i32
  }
  func.func @transform_5(%arg0: i32, %arg1: i32) -> (i32, i32) {
    %c0_i32 = arith.constant 0 : i32
    %c0_i32_0 = arith.constant 0 : i32
    %c0_i32_1 = arith.constant 0 : i32
    return %c0_i32, %c0_i32_0 : i32, i32
  }
  func.func @transform_6(%arg0: i32, %arg1: i32) -> (i32, i32) {
    %c0_i32 = arith.constant 0 : i32
    %c0_i32_0 = arith.constant 0 : i32
    %c0_i32_1 = arith.constant 0 : i32
    return %c0_i32, %c0_i32_0 : i32, i32
  }
  func.func @transform_7(%arg0: i32, %arg1: i32) -> (i32, i32, i32) {
    %c0_i32 = arith.constant 0 : i32
    %c0_i32_0 = arith.constant 0 : i32
    return %arg0, %c0_i32, %arg1 : i32, i32, i32
  }
}

module attributes {stable_mosaic.version = 14 : i64} {
  func.func @_mlp_body(%arg0: i32, %arg1: i32, %arg2: memref<1x512x64xf32, #tpu.memory_space<vmem>>, %arg3: memref<1x1x512x640xf32, #tpu.memory_space<vmem>>, %arg4: memref<1x1x512x640xf32, #tpu.memory_space<vmem>>, %arg5: memref<1x1x512x640xf32, #tpu.memory_space<vmem>>, %arg6: memref<1x1x1x512xf32, #tpu.memory_space<vmem>>, %arg7: memref<1x1x1x512xf32, #tpu.memory_space<vmem>>, %arg8: memref<1x1x1x512xf32, #tpu.memory_space<vmem>>, %arg9: memref<704x640xf32, #tpu.memory_space<vmem>>, %arg10: memref<1x640xf32, #tpu.memory_space<vmem>>, %arg11: memref<640x768xf32, #tpu.memory_space<vmem>>, %arg12: memref<1x768xf32, #tpu.memory_space<vmem>>, %arg13: memref<1x768x512xf32, #tpu.memory_space<vmem>>) attributes {dimension_semantics = [#tpu.dimension_semantics<arbitrary>, #tpu.dimension_semantics<arbitrary>], iteration_bounds = array<i64: 2, 16>, scalar_prefetch = 0 : i64, scratch_operands = 0 : i64, tpu.core_type = #tpu.core_type<tc>, window_params = [{transform_indices = @transform_0, window_bounds = array<i64: 1, 512, 64>}, {transform_indices = @transform_1, window_bounds = array<i64: 1, 1, 512, 640>}, {transform_indices = @transform_2, window_bounds = array<i64: 1, 1, 512, 640>}, {transform_indices = @transform_3, window_bounds = array<i64: 1, 1, 512, 640>}, {transform_indices = @transform_4, window_bounds = array<i64: 1, 1, 1, 512>}, {transform_indices = @transform_5, window_bounds = array<i64: 1, 1, 1, 512>}, {transform_indices = @transform_6, window_bounds = array<i64: 1, 1, 1, 512>}, {pipeline_mode = #tpu.pipeline_mode<synchronous>, transform_indices = @transform_7, window_bounds = array<i64: 704, 640>}, {pipeline_mode = #tpu.pipeline_mode<synchronous>, transform_indices = @transform_8, window_bounds = array<i64: 1, 640>}, {pipeline_mode = #tpu.pipeline_mode<synchronous>, transform_indices = @transform_9, window_bounds = array<i64: 640, 768>}, {pipeline_mode = #tpu.pipeline_mode<synchronous>, transform_indices = @transform_10, window_bounds = array<i64: 1, 768>}, {transform_indices = @transform_11, window_bounds = array<i64: 1, 768, 512>}]} {
    %get3A = arith.constant 0 : index
    %get3A_0 = arith.constant 0 : index
    %get3A_1 = arith.constant 0 : index
    %get3A_2 = arith.constant 0 : index
    %get3A_3 = vector.load %arg3[%get3A, %get3A_0, %get3A_1, %get3A_2] : memref<1x1x512x640xf32, #tpu.memory_space<vmem>>, vector<1x1x512x640xf32>
    %get3A_4 = vector.shape_cast %get3A_3 : vector<1x1x512x640xf32> to vector<512x640xf32>
    %get3A_5 = arith.constant 0 : index
    %get3A_6 = arith.constant 0 : index
    %get3A_7 = arith.constant 0 : index
    %get3A_8 = arith.constant 0 : index
    %get3A_9 = vector.load %arg6[%get3A_5, %get3A_6, %get3A_7, %get3A_8] : memref<1x1x1x512xf32, #tpu.memory_space<vmem>>, vector<1x1x1x512xf32>
    %get3A_10 = vector.shape_cast %get3A_9 : vector<1x1x1x512xf32> to vector<1x512xf32>
    %transpose3A = tpu.transpose %get3A_10, [1, 0] : vector<1x512xf32> -> vector<512x1xf32>
    %mul3A = vector.broadcast %transpose3A : vector<512x1xf32> to vector<512x640xf32>
    %mul3A_11 = arith.mulf %get3A_4, %mul3A : vector<512x640xf32>
    %get3A_12 = arith.constant 0 : index
    %get3A_13 = arith.constant 0 : index
    %get3A_14 = arith.constant 0 : index
    %get3A_15 = arith.constant 0 : index
    %get3A_16 = vector.load %arg4[%get3A_12, %get3A_13, %get3A_14, %get3A_15] : memref<1x1x512x640xf32, #tpu.memory_space<vmem>>, vector<1x1x512x640xf32>
    %get3A_17 = vector.shape_cast %get3A_16 : vector<1x1x512x640xf32> to vector<512x640xf32>
    %get3A_18 = arith.constant 0 : index
    %get3A_19 = arith.constant 0 : index
    %get3A_20 = arith.constant 0 : index
    %get3A_21 = arith.constant 0 : index
    %get3A_22 = vector.load %arg7[%get3A_18, %get3A_19, %get3A_20, %get3A_21] : memref<1x1x1x512xf32, #tpu.memory_space<vmem>>, vector<1x1x1x512xf32>
    %get3A_23 = vector.shape_cast %get3A_22 : vector<1x1x1x512xf32> to vector<1x512xf32>
    %transpose3A_24 = tpu.transpose %get3A_23, [1, 0] : vector<1x512xf32> -> vector<512x1xf32>
    %mul3A_25 = vector.broadcast %transpose3A_24 : vector<512x1xf32> to vector<512x640xf32>
    %mul3A_26 = arith.mulf %get3A_17, %mul3A_25 : vector<512x640xf32>
    %add3A = arith.addf %mul3A_11, %mul3A_26 : vector<512x640xf32>
    %get3A_27 = arith.constant 0 : index
    %get3A_28 = arith.constant 0 : index
    %get3A_29 = arith.constant 0 : index
    %get3A_30 = arith.constant 0 : index
    %get3A_31 = vector.load %arg5[%get3A_27, %get3A_28, %get3A_29, %get3A_30] : memref<1x1x512x640xf32, #tpu.memory_space<vmem>>, vector<1x1x512x640xf32>
    %get3A_32 = vector.shape_cast %get3A_31 : vector<1x1x512x640xf32> to vector<512x640xf32>
    %get3A_33 = arith.constant 0 : index
    %get3A_34 = arith.constant 0 : index
    %get3A_35 = arith.constant 0 : index
    %get3A_36 = arith.constant 0 : index
    %get3A_37 = vector.load %arg8[%get3A_33, %get3A_34, %get3A_35, %get3A_36] : memref<1x1x1x512xf32, #tpu.memory_space<vmem>>, vector<1x1x1x512xf32>
    %get3A_38 = vector.shape_cast %get3A_37 : vector<1x1x1x512xf32> to vector<1x512xf32>
    %transpose3A_39 = tpu.transpose %get3A_38, [1, 0] : vector<1x512xf32> -> vector<512x1xf32>
    %mul3A_40 = vector.broadcast %transpose3A_39 : vector<512x1xf32> to vector<512x640xf32>
    %mul3A_41 = arith.mulf %get3A_32, %mul3A_40 : vector<512x640xf32>
    %add3A_42 = arith.addf %add3A, %mul3A_41 : vector<512x640xf32>
    %get3A_43 = arith.constant 0 : index
    %get3A_44 = arith.constant 0 : index
    %get3A_45 = arith.constant 0 : index
    %get3A_46 = vector.load %arg2[%get3A_43, %get3A_44, %get3A_45] : memref<1x512x64xf32, #tpu.memory_space<vmem>>, vector<1x512x64xf32>
    %get3A_47 = vector.shape_cast %get3A_46 : vector<1x512x64xf32> to vector<512x64xf32>
    %concatenate3A = tpu.concatenate %get3A_47, %add3A_42 in 1 : vector<512x64xf32>, vector<512x640xf32> -> vector<512x704xf32>
    %get3A_48 = arith.constant 0 : index
    %get3A_49 = arith.constant 0 : index
    %get3A_50 = vector.load %arg9[%get3A_48, %get3A_49] : memref<704x640xf32, #tpu.memory_space<vmem>>, vector<704x640xf32>
    %dot_general3A = arith.constant dense<0.000000e+00> : vector<512x640xf32>
    %dot_general3A_51 = tpu.matmul %concatenate3A, %get3A_50, %dot_general3A {dimension_numbers = #tpu.dot_dimension_numbers<[1], [0], [0], [1], [0, 0, 1, 1], [], []>, transpose_lhs_hint = false} : vector<512x704xf32>, vector<704x640xf32>, vector<512x640xf32> -> vector<512x640xf32>
    %get3A_52 = arith.constant 0 : index
    %get3A_53 = arith.constant 0 : index
    %get3A_54 = vector.load %arg10[%get3A_52, %get3A_53] : memref<1x640xf32, #tpu.memory_space<vmem>>, vector<1x640xf32>
    %add3A_55 = vector.broadcast %get3A_54 : vector<1x640xf32> to vector<512x640xf32>
    %add3A_56 = arith.addf %dot_general3A_51, %add3A_55 : vector<512x640xf32>
    %max3A = arith.constant 0.000000e+00 : f32
    %max3A_57 = vector.broadcast %max3A : f32 to vector<512x640xf32>
    %max3A_58 = arith.maximumf %add3A_56, %max3A_57 : vector<512x640xf32>
    %get3A_59 = arith.constant 0 : index
    %get3A_60 = arith.constant 0 : index
    %get3A_61 = vector.load %arg11[%get3A_59, %get3A_60] : memref<640x768xf32, #tpu.memory_space<vmem>>, vector<640x768xf32>
    %dot_general3A_62 = arith.constant dense<0.000000e+00> : vector<512x768xf32>
    %dot_general3A_63 = tpu.matmul %max3A_58, %get3A_61, %dot_general3A_62 {dimension_numbers = #tpu.dot_dimension_numbers<[1], [0], [0], [1], [0, 0, 1, 1], [], []>, transpose_lhs_hint = false} : vector<512x640xf32>, vector<640x768xf32>, vector<512x768xf32> -> vector<512x768xf32>
    %get3A_64 = arith.constant 0 : index
    %get3A_65 = arith.constant 0 : index
    %get3A_66 = vector.load %arg12[%get3A_64, %get3A_65] : memref<1x768xf32, #tpu.memory_space<vmem>>, vector<1x768xf32>
    %add3A_67 = vector.broadcast %get3A_66 : vector<1x768xf32> to vector<512x768xf32>
    %add3A_68 = arith.addf %dot_general3A_63, %add3A_67 : vector<512x768xf32>
    %max3A_69 = arith.constant 0.000000e+00 : f32
    %max3A_70 = vector.broadcast %max3A_69 : f32 to vector<512x768xf32>
    %max3A_71 = arith.maximumf %add3A_68, %max3A_70 : vector<512x768xf32>
    %transpose3A_72 = tpu.transpose %max3A_71, [1, 0] : vector<512x768xf32> -> vector<768x512xf32>
    %swap3A = arith.constant 0 : index
    %swap3A_73 = arith.constant 0 : index
    %swap3A_74 = arith.constant 0 : index
    %swap3A_75 = vector.load %arg13[%swap3A, %swap3A_73, %swap3A_74] : memref<1x768x512xf32, #tpu.memory_space<vmem>>, vector<1x768x512xf32>
    %swap3A_76 = vector.shape_cast %swap3A_75 : vector<1x768x512xf32> to vector<768x512xf32>
    %swap3A_77 = vector.shape_cast %transpose3A_72 : vector<768x512xf32> to vector<1x768x512xf32>
    tpu.vector_store %arg13[%swap3A, %swap3A_73, %swap3A_74], %swap3A_77 {strides = array<i32>} : memref<1x768x512xf32, #tpu.memory_space<vmem>>, vector<1x768x512xf32>,
    return
  }
  func.func @transform_0(%arg0: i32, %arg1: i32) -> (i32, i32, i32) {
    %c0_i32 = arith.constant 0 : i32
    %c0_i32_0 = arith.constant 0 : i32
    return %arg0, %arg1, %c0_i32 : i32, i32, i32
  }
  func.func @transform_1(%arg0: i32, %arg1: i32) -> (i32, i32, i32, i32) {
    %c0_i32 = arith.constant 0 : i32
    %c0_i32_0 = arith.constant 0 : i32
    %c0_i32_1 = arith.constant 0 : i32
    return %c0_i32, %arg0, %arg1, %c0_i32_0 : i32, i32, i32, i32
  }
  func.func @transform_2(%arg0: i32, %arg1: i32) -> (i32, i32, i32, i32) {
    %c1_i32 = arith.constant 1 : i32
    %c0_i32 = arith.constant 0 : i32
    %c0_i32_0 = arith.constant 0 : i32
    return %c1_i32, %arg0, %arg1, %c0_i32 : i32, i32, i32, i32
  }
  func.func @transform_3(%arg0: i32, %arg1: i32) -> (i32, i32, i32, i32) {
    %c2_i32 = arith.constant 2 : i32
    %c0_i32 = arith.constant 0 : i32
    %c0_i32_0 = arith.constant 0 : i32
    return %c2_i32, %arg0, %arg1, %c0_i32 : i32, i32, i32, i32
  }
  func.func @transform_4(%arg0: i32, %arg1: i32) -> (i32, i32, i32, i32) {
    %c0_i32 = arith.constant 0 : i32
    %c0_i32_0 = arith.constant 0 : i32
    %c0_i32_1 = arith.constant 0 : i32
    return %c0_i32, %arg0, %c0_i32_0, %arg1 : i32, i32, i32, i32
  }
  func.func @transform_5(%arg0: i32, %arg1: i32) -> (i32, i32, i32, i32) {
    %c1_i32 = arith.constant 1 : i32
    %c0_i32 = arith.constant 0 : i32
    %c0_i32_0 = arith.constant 0 : i32
    return %c1_i32, %arg0, %c0_i32, %arg1 : i32, i32, i32, i32
  }
  func.func @transform_6(%arg0: i32, %arg1: i32) -> (i32, i32, i32, i32) {
    %c2_i32 = arith.constant 2 : i32
    %c0_i32 = arith.constant 0 : i32
    %c0_i32_0 = arith.constant 0 : i32
    return %c2_i32, %arg0, %c0_i32, %arg1 : i32, i32, i32, i32
  }
  func.func @transform_7(%arg0: i32, %arg1: i32) -> (i32, i32) {
    %c0_i32 = arith.constant 0 : i32
    %c0_i32_0 = arith.constant 0 : i32
    %c0_i32_1 = arith.constant 0 : i32
    return %c0_i32, %c0_i32_0 : i32, i32
  }
  func.func @transform_8(%arg0: i32, %arg1: i32) -> (i32, i32) {
    %c0_i32 = arith.constant 0 : i32
    %c0_i32_0 = arith.constant 0 : i32
    %c0_i32_1 = arith.constant 0 : i32
    return %c0_i32, %c0_i32_0 : i32, i32
  }
  func.func @transform_9(%arg0: i32, %arg1: i32) -> (i32, i32) {
    %c0_i32 = arith.constant 0 : i32
    %c0_i32_0 = arith.constant 0 : i32
    %c0_i32_1 = arith.constant 0 : i32
    return %c0_i32, %c0_i32_0 : i32, i32
  }
  func.func @transform_10(%arg0: i32, %arg1: i32) -> (i32, i32) {
    %c0_i32 = arith.constant 0 : i32
    %c0_i32_0 = arith.constant 0 : i32
    %c0_i32_1 = arith.constant 0 : i32
    return %c0_i32, %c0_i32_0 : i32, i32
  }
  func.func @transform_11(%arg0: i32, %arg1: i32) -> (i32, i32, i32) {
    %c0_i32 = arith.constant 0 : i32
    %c0_i32_0 = arith.constant 0 : i32
    return %arg0, %c0_i32, %arg1 : i32, i32, i32
  }
}

</mosaic_0001>

<sc_bundles>
// kernel: kernel.6.cloned.1.call-start
scs
__scs_entry_jumppad:
0x0: {  	(pc) =	sbr.rel $0x88, $3  }
0x1: {  	(tag) =	ssettag $0x0;
	lr =	simm.s32 $0x1  }
0x2: {  	[smem:$0x3F94] =	sst lr;
	_ =	strace $0xD0000000  }
0x3: {  	_ = 	snop  }
0x4: {  	_ = 	snop  }
0x5: {  	_ = 	snop  }
0x6: {  	_ = 	snop  }
0x7: {  	_ = 	snop  }
__scs_overlays_trampoline_lowered:
0x8: {  	[smem:$0x3FA3] =	sst s0  }
0x9: {  	[smem:$0x3FA4] =	sst s1  }
0xa: {  	[smem:$0x3FA5] =	sst s2  }
0xb: {  	[smem:$0x3FA6] =	sst s3  }
0xc: {  	[smem:$0x3FA7] =	sst s4  }
0xd: {  	[smem:$0x3FA8] =	sst s5  }
0xe: {  	[smem:$0x3FA9] =	sst s6  }
0xf: {  	[smem:$0x3FAA] =	sst s7  }
0x10: {  	[smem:$0x3FAB] =	sst s8  }
0x11: {  	[smem:$0x3FAC] =	sst s9;
	s0 =	simm.s32 @!p0 $0x0  }
0x12: {  	s1 =	sld [smem:$0x3F92];
	s0 =	simm.s32 @p0 $0x1  }
0x13: {  	[smem:$0x3FAD] =	sst s0;
	s0 =	simm.s32 @!p1 $0x0  }
0x14: {  	s2 =	sld [smem:$0x3F91];
	s0 =	simm.s32 @p1 $0x1  }
0x15: {  	[smem:$0x3FAE] =	sst s0;
	s0 =	simm.s32 @!p2 $0x0  }
0x16: {  	s3 =	sld [smem:$0x3FDB];
	s0 =	simm.s32 @p2 $0x1  }
0x17: {  	s4 =	simm.s32 $0x1BF5;
	[smem:$0x3FB0] =	sst s0  }
0x18: {  	s0 =	sld [smem:$0x3F93];
	_ =	swait.ge [sflag:s4], $0x0  }
0x19: {  	s7 =	sld [smem:$0x3F94]  }
0x1a: {  	s8 =	sadd.s32 $0xFFFFE003, lr  }
0x1b: {  	s9 =	sadd.s32 $0xFFFFFEF7, lr;
	s5 =	simm.s32 $0xFFFFFFFF;
	p2 =	slt.u32 s8, $0xFFFFF086  }
0x1c: {  	p1 =	slt.u32 s9, $0xF7A;
	s5 =	simm.s32 @!p2 $0x0  }
0x1d: {  	s5 =	simm.s32 @p1 $0x1;
	p0 =	seq.s32 s7, s2  }
0x1e: {  	s7 =	smul.u32 @!p0 $0xF7A, s2;
	p2 =	seq.s32 @!p0 s5, $0x0  }
0x1f: {  	s9 =	smul.u32 $0xF7A, s1;
	s8 =	simm.s32 @!p0 $0x1BF5;
	p2 =	por !p2, p0  }
0x20: {  	[sflag:s8] =	ssyncset.s32 @!p0 $0xFFFFF086;
	s6 =	sadd.s32 @!p0 s3, s7;
	s7 =	simm.s32 @!p0 $0x108  }
0x21: {  	s3 =	sadd.s32 s3, s9;
	s6 =	sadd.s32 @!p0 $0x88, s6;
	s7 =	simm.s32 @p2 $0x1082  }
0x22: {  	[simem:s7], [sflag:s8] =	dma.local @!p0 [hbm:s6], $0xF7A  }
0x23: {  	s9 =	sor.u32 $0xD0000000, s2;
	s6 =	simm.s32 $0x108;
	_ =	swait.ge @!p0 [sflag:s8], $0x0  }
0x24: {  	s3 =	sadd.s32 $0x88, s3;
	s6 =	simm.s32 @!p1 $0x1082;
	[sflag:s4] =	ssyncset.s32 $0xFFFFF086  }
0x25: {  	[simem:s6], [sflag:s4] =	dma.local [hbm:s3], $0xF7A  }
0x26: {  	[smem:$0x3F94] =	sst s1;
	(tag) =	ssettag s2;
	_ =	strace s9  }
0x27: {  	s1 =	sld [smem:$0x3FA4]  }
0x28: {  	s2 =	sld [smem:$0x3FA5]  }
0x29: {  	s4 =	sld [smem:$0x3FA7]  }
0x2a: {  	p0 =	seq.s32 s5, $0x0;
	s5 =	sld [smem:$0x3FA8]  }
0x2b: {  	s6 =	sld [smem:$0x3FA9]  }
0x2c: {  	s7 =	sld [smem:$0x3FAA]  }
0x2d: {  	s3 =	simm.s32 $0x108;
	s8 =	sld [smem:$0x3FAB]  }
0x2e: {  	s3 =	simm.s32 @!p0 $0x1082;
	s9 =	sld [smem:$0x3FAC]  }
0x2f: {  	lr =	sadd.s32 s0, s3;
	s0 =	sld [smem:$0x3FA3]  }
0x30: {  	s3 =	sld [smem:$0x3FA6]  }
0x31: {  	[smem:$0x3FAF] =	sst s10  }
0x32: {  	s10 =	sld [smem:$0x3FAD];
	_ =	sdelay $0x3  }
0x33: {  	p0 =	seq.s32 s10, $0x1;
	s10 =	sld [smem:$0x3FAF];
	_ =	sdelay $0x3  }
0x34: {  	[smem:$0x3FAF] =	sst s10  }
0x35: {  	s10 =	sld [smem:$0x3FAE];
	_ =	sdelay $0x3  }
0x36: {  	p1 =	seq.s32 s10, $0x1;
	s10 =	sld [smem:$0x3FAF];
	_ =	sdelay $0x3  }
0x37: {  	[smem:$0x3FAF] =	sst s10  }
0x38: {  	s10 =	sld [smem:$0x3FB0]  }
0x39: {  	_ = 	snop;
	(pc) =	sbr.ind lr, $3  }
0x3a: {  	_ = 	snop  }
0x3b: {  	_ = 	snop  }
0x3c: {  	p2 =	seq.s32 s10, $0x1;
	s10 =	sld [smem:$0x3FAF]  }
0x3d: {  	_ =	shalt  }
0x3e: {  	_ =	shalt  }
0x3f: {  	_ =	shalt  }
0x40: {  	_ =	shalt  }
0x41: {  	_ =	shalt  }
0x42: {  	_ =	shalt  }
0x43: {  	_ =	shalt  }
0x44: {  	_ =	shalt  }
0x45: {  	_ =	shalt  }
0x46: {  	_ =	shalt  }
0x47: {  	_ =	shalt  }
0x48: {  	_ =	shalt  }
0x49: {  	_ =	shalt  }
0x4a: {  	_ =	shalt  }
0x4b: {  	_ =	shalt  }
0x4c: {  	_ =	shalt  }
0x4d: {  	_ =	shalt  }
0x4e: {  	_ =	shalt  }
0x4f: {  	_ =	shalt  }
0x50: {  	_ =	shalt  }
0x51: {  	_ =	shalt  }
0x52: {  	_ =	shalt  }
0x53: {  	_ =	shalt  }
0x54: {  	_ =	shalt  }
0x55: {  	_ =	shalt  }
0x56: {  	_ =	shalt  }
0x57: {  	_ =	shalt  }
0x58: {  	_ =	shalt  }
0x59: {  	_ =	shalt  }
0x5a: {  	_ =	shalt  }
0x5b: {  	_ =	shalt  }
0x5c: {  	_ =	shalt  }
0x5d: {  	_ =	shalt  }
0x5e: {  	_ =	shalt  }
0x5f: {  	_ =	shalt  }
0x60: {  	_ =	shalt  }
0x61: {  	_ =	shalt  }
0x62: {  	_ =	shalt  }
0x63: {  	_ =	shalt  }
0x64: {  	_ =	shalt  }
0x65: {  	_ =	shalt  }
0x66: {  	_ =	shalt  }
0x67: {  	_ =	shalt  }
0x68: {  	_ =	shalt  }
0x69: {  	_ =	shalt  }
0x6a: {  	_ =	shalt  }
0x6b: {  	_ =	shalt  }
0x6c: {  	_ =	shalt  }
0x6d: {  	_ =	shalt  }
0x6e: {  	_ =	shalt  }
0x6f: {  	_ =	shalt  }
0x70: {  	_ =	shalt  }
0x71: {  	_ =	shalt  }
0x72: {  	_ =	shalt  }
0x73: {  	_ =	shalt  }
0x74: {  	_ =	shalt  }
0x75: {  	_ =	shalt  }
0x76: {  	_ =	shalt  }
0x77: {  	_ =	shalt  }
0x78: {  	_ =	shalt  }
0x79: {  	_ =	shalt  }
0x7a: {  	_ =	shalt  }
0x7b: {  	_ =	shalt  }
0x7c: {  	_ =	shalt  }
0x7d: {  	_ =	shalt  }
0x7e: {  	_ =	shalt  }
0x7f: {  	_ =	shalt  }
0x80: {  	_ =	shalt  }
0x81: {  	_ =	shalt  }
0x82: {  	_ =	shalt  }
0x83: {  	_ =	shalt  }
0x84: {  	_ =	shalt  }
0x85: {  	_ =	shalt  }
0x86: {  	_ =	shalt  }
0x87: {  	_ =	shalt  }
.Lfunc_end0:
.L_simem_size_0:
called_computation_lowered:
.L_overlay_start_0:
0x88: {  	s2 =	sld [smem:$0x3FD9]  }
0x89: {  	s3 =	sld [smem:$0x3FFE];
	_ =	sdelay $0x1  }
0x8a: {  	s1 =	srdreg.scid  }
0x8b: {  	s0 =	sand.u32 $0x1, s1  }
0x8c: {  	s16 =	sshll.u32 s0, $0xA;
	s2 =	sadd.s32 s3, s2  }
0x8d: {  	s2 =	sadd.s32 s2, s16  }
0x8e: {  	[smem:$0x3FBB] =	sst s2  }
0x8f: {  	_ = 	snop  }
0x90: {  	(tm) =	ssettm $0x1  }
0x91: {  	s17 =	sld [smem:$0x3FFB];
	_ =	sdelay $0x3  }
0x92: {  	_ =	strace s17  }
0x93: {  	s2 =	sld [smem:$0x3FFC];
	_ =	sdelay $0x3  }
0x94: {  	_ =	strace s2  }
0x95: {  	s2 =	sld [smem:$0x3FFD];
	_ =	sdelay $0x3  }
0x96: {  	_ =	strace s2  }
0x97: {  	_ =	strace $0x8FFFFFFF  }
0x98: {  	s18 =	sld [smem:$0x3FDB];
	_ =	sdelay $0x1  }
0x99: {  	s19 =	simm.s32 $_scs_section_size  }
0x9a: {  	s4 =	simm.s32 $_size__tile_overlayer_lowered;
	s5 =	simm.s32 $_tile_overlayer_lowered  }
0x9b: {  	s22 =	simm.s32 $0x1BFF;
	s21 =	sshll.u32 s5, $0x1;
	s2 =	sadd.s32 s19, s18  }
0x9c: {  	s6 =	simm.s32 $0x0;
	s20 =	sshll.u32 s4, $0x1;
	s4 =	sadd.s32 s21, s2  }
0x9d: {  	[timem:s6], [sflag:s22] =	dma.local [hbm:s4], s20  }
0x9e: {  	_ =	swait.ge [sflag:s22], s20  }
0x9f: {  	s3 =	ssub.s32 $0x0, s20;
	[sflag:s22] =	ssyncset.done $0x0  }
0xa0: {  	[sflag:s22] =	ssyncadd.s32 s3;
	_ =	sdelay $0x1  }
0xa1: {  	s23 =	simm.s32 $0x1B8B  }
0xa2: {  	_ =	swait.ge [sflag:s23], $0x1  }
0xa3: {  	[sflag:s23] =	ssyncset.done $0x0  }
0xa4: {  	s25 =	simm.s32 $0x1B8E;
	s24 =	sld [smem:$0x3FFE];
	[sflag:s23] =	ssyncadd.s32 $0xFFFFFFFF  }
0xa5: {  	s26 =	simm.s32 $execute0_lowered;
	[smem:$0x3FD2] =	sst s25  }
0xa6: {  	s4 =	sshll.u32 s26, $0x1;
	_ =	strace $0x80000046;
	[dreg:$0x1] =	wrdreg $0xFFFFFFFF  }
0xa7: {  	s28 =	simm.s32 $_size_execute0_lowered;
	s2 =	sadd.s32 s2, s4;
	[dreg:$0x0] =	wrdreg $0x0  }
0xa8: {  	s4 =	sshll.u32 s28, $0x1;
	[dreg:$0x2] =	wrdreg s2  }
0xa9: {  	[dreg:$0x3] =	wrdreg s4  }
0xaa: {  	[dreg:$0x4] =	wrdreg $0xC0  }
0xab: {  	_ =	task [dreg:s6], $0x5FFFF  }
0xac: {  	[dreg:$0x1] =	wrdreg $0xFFFFFFFF  }
0xad: {  	[dreg:$0x0] =	wrdreg $0x60  }
0xae: {  	[dreg:$0x2] =	wrdreg s24  }
0xaf: {  	[dreg:$0x3] =	wrdreg $0x9  }
0xb0: {  	_ =	task.clear_ibuf [dreg:s6], $0x4FFFF;
	_ =	strace $0x90000046  }
0xb1: {  	s29 =	simm.s32 $0x9;
	_ =	strace $0x80000048  }
0xb2: {  	_ =	swait.ge [sflag:s29], $0x1  }
0xb3: {  	[sflag:s29] =	ssyncadd.s32 $0xFFFFFFFF  }
0xb4: {  	_ =	strace $0x90000048  }
0xb5: {  	_ =	sfence  }
0xb6: {  	s30 =	sld [smem:$0x0];
	_ =	sdelay $0x2  }
0xb7: {  	s31 =	sshll.u32 s1, $0xD;
	s1 =	sshrl.u32 s1, $0x2  }
0xb8: {  	s3 =	sand.u32 $0x4000, s31;
	s1 =	sadd.s32 s1, s30  }
0xb9: {  	s0 =	sor.u32 s3, s0;
	s1 =	sshll.u32 s1, $0x11  }
0xba: {  	s0 =	sor.u32 s1, s0  }
0xbb: {  	s0 =	sadd.s32 $0x8F2B, s0  }
0xbc: {  	[sflag:s0] =	ssyncadd.remote.s32 $0x1  }
0xbd: {  	_ =	sfence.sel $0xFFFF  }
0xbe: {  	[dreg:$0x0] =	wrdreg $0xFFFFFFFF;
	(pc) =	sbr.abs _section_cstart, $3  }
0xbf: {  	[dreg:$0x1] =	wrdreg $0xFFFFFFFF  }
0xc0: {  	_ =	task.clear_ibuf [dreg:s6], $0x2FFFF;
	_ =	strace $0x9FFFFFFF  }
0xc1: {  	(tm) =	ssettm $0x7FFFFFFF  }
tec
execute0_lowered:
.L_overlay_start_1:
0x0: {  	(tag) =	ssettag $0x1  }
0x1: {  	s0 =	srdreg.scid  }
0x2: {  	s1 =	stileid.u32;
	s5 =	rddreg [dreg:$0x0]  }
0x3: {  	s2 =	simm.s32 $0x0;
	s22 =	simm.s32 $0x880;
	s23 =	simm.s32 $0x1080  }
0x4: {  	s24 =	simm.s32 $0x1480;
	s26 =	simm.s32 $0x1C80;
	s8 =	simm.s32 $0x2  }
0x5: {  	s9 =	simm.s32 $0x80;
	s10 =	simm.s32 $0x2480;
	s11 =	simm.s32 $0x2880  }
0x6: {  	s12 =	simm.s32 $0x3080;
	s13 =	simm.s32 $0x3880;
	s14 =	simm.s32 $0x3C80  }
0x7: {  	s15 =	simm.s32 $0x4480;
	s16 =	simm.s32 $0x4C80;
	s17 =	simm.s32 $0x5080  }
0x8: {  	s18 =	simm.s32 $0x5880;
	s19 =	simm.s32 $0x6080;
	s20 =	simm.s32 $0x6480  }
0x9: {  	s21 =	simm.s32 $0x6C80;
	s28 =	simm.s32 $0x9480;
	[smem:$0x7FF] =	sst s2  }
0xa: {  	s29 =	simm.s32 $0x9C80;
	_ =	strace $0x80000047;
	[dreg:$0x3] =	wrdreg s22  }
0xb: {  	s0 =	sand.u32 $0x1, s0;
	s1 =	smul.u32 $0xC00, s1;
	[dreg:$0x4] =	wrdreg s23  }
0xc: {  	s30 =	simm.s32 $0x1;
	s3 =	smul.u32 $0x600, s0;
	[dreg:$0x5] =	wrdreg s24  }
0xd: {  	s31 =	simm.s32 $0x0;
	s0 =	ssub.s32 $0x2, s0;
	[dreg:$0x6] =	wrdreg s26  }
0xe: {  	s22 =	simm.s32 $0x7480;
	s23 =	simm.s32 $0x7880;
	s1 =	sadd.s32 s3, s1  }
0xf: {  	s24 =	simm.s32 $0x8080;
	s6 =	sshrl.u32 s0, $0x1;
	s1 =	sshrl.u32 s1, $0x3  }
0x10: {  	s26 =	simm.s32 $0x8C80;
	s0 =	ssub.s32 s0, s6;
	s4 =	smul.u32 $0x280, s1  }
0x11: {  	s3 =	sadd.s32 $0x5000, s5;
	s0 =	smax.u32 s0, $0x1;
	s1 =	sadd.s32 s1, s5  }
0x12: {  	v2 =	vlaneseq.u32;
	[dreg:$0x7] =	wrdreg s0;
	s1 =	sadd.s32 $0x3800, s1;
	s7 =	sadd.s32 s4, s5  }
0x13: {  	vm0 =	vmmov $0xffff;
	vm1 =	vmmov $0xff;
	v1 =	vshrl.u32 v2, $0x3;
	s4 =	sadd.s32 $0x5100, s5;
	[dreg:$0x2] =	wrdreg s1;
	s25 =	sadd.s32 $0x55000, s7  }
0x14: {  	v0 =	vand.u32 $0x7, v2;
	v2 =	vor.u32 $0x8, v2;
	v1 =	vmul.u32 $0x8, v1;
	s5 =	sadd.s32 $0x5200, s5;
	[dreg:$0x8] =	wrdreg s25;
	s25 =	simm.s32 $0x8880  }
.LBB2_1:
0x15: {  	s1 =	simm.s32 $0x0;
	s7 =	rddreg [dreg:$0x8]  }
.LBB2_2:
0x16: {  	s6 =	rddreg [dreg:$0x2]  }
0x17: {  	s6 =	sadd.s32 s1, s6  }
0x18: {  	[tilespmem:s2], [sflag:$0x2] =	stream.linear.gather [hbm4b:s6+s2], $0x40, $0x38;
	[tilespmem:$0xA080] =	vst v63  }
0x19: {  	_ =	swait.ge [sflag:s8], $0x40  }
0x1a: {  	[sflag:s8] =	ssyncset.done $0x0  }
0x1b: {  	[sflag:s8] =	ssyncadd.s32 $0xFFFFFFC0  }
0x1c: {  	v3 =	vld [tilespmem:$0x0];
	_ =	sdelay $0x4  }
0x1d: {  	v4 =	vshrl.u32 v3, $0x3  }
0x1e: {  	v4 =	vmul.u32 $0x28, v4  }
0x1f: {  	v3 =	vand.u32 $0x7, v3  }
0x20: {  	v3 =	vor.u32 v3, v4  }
0x21: {  	v4 =	vperm.xlane v3, v0;
	_ =	sdelay $0x1  }
0x22: {  	v4 =	vadd.s32 v1, v4;
	_ =	sdelay $0x3  }
0x23: {  	v3 =	vperm.xlane v3, v2  }
0x24: {  	[tilespmem:s9], [sflag:$0x1] =	stream.indirect_vreg.gather [hbm4b:s3+s2], $0x80, v4, vm0, $0xb8;
	[tilespmem:$0xA080] =	vst v63  }
0x25: {  	s6 =	rddreg [dreg:$0x3];
	v3 =	vadd.s32 v1, v3  }
0x26: {  	[tilespmem:s6], [sflag:$0x1] =	stream.indirect_vreg.gather [hbm4b:s4+s2], $0x80, v4, vm0, $0xb8;
	[tilespmem:$0xA080] =	vst v63  }
0x27: {  	s0 =	rddreg [dreg:$0x4]  }
0x28: {  	[tilespmem:s0], [sflag:$0x1] =	stream.indirect_vreg.gather [hbm4b:s5+s2], $0x80, v4, vm1, $0xb8;
	[tilespmem:$0xA080] =	vst v63  }
0x29: {  	s6 =	rddreg [dreg:$0x5]  }
0x2a: {  	[tilespmem:s6], [sflag:$0x1] =	stream.indirect_vreg.gather [hbm4b:s3+s2], $0x80, v3, vm0, $0xb8;
	[tilespmem:$0xA080] =	vst v63  }
0x2b: {  	s0 =	rddreg [dreg:$0x6]  }
0x2c: {  	[tilespmem:s0], [sflag:$0x1] =	stream.indirect_vreg.gather [hbm4b:s4+s2], $0x80, v3, vm0, $0xb8;
	[tilespmem:$0xA080] =	vst v63  }
0x2d: {  	_ = 	snop  }
0x2e: {  	[tilespmem:s10], [sflag:$0x1] =	stream.indirect_vreg.gather [hbm4b:s5+s2], $0x80, v3, vm1, $0xb8;
	[tilespmem:$0xA080] =	vst v63  }
0x2f: {  	v3 =	vld [tilespmem:$0x10];
	_ =	sdelay $0x4  }
0x30: {  	v61 =	vshrl.u32 v3, $0x3  }
0x31: {  	v4 =	vmul.u32 $0x28, v61  }
0x32: {  	v3 =	vand.u32 $0x7, v3  }
0x33: {  	v3 =	vor.u32 v3, v4  }
0x34: {  	v4 =	vperm.xlane v3, v0;
	_ =	sdelay $0x1  }
0x35: {  	v4 =	vadd.s32 v1, v4;
	_ =	sdelay $0x3  }
0x36: {  	v3 =	vperm.xlane v3, v2  }
0x37: {  	[tilespmem:s11], [sflag:$0x1] =	stream.indirect_vreg.gather [hbm4b:s3+s2], $0x80, v4, vm0, $0xb8;
	[tilespmem:$0xA080] =	vst v63  }
0x38: {  	v3 =	vadd.s32 v1, v3  }
0x39: {  	[tilespmem:s12], [sflag:$0x1] =	stream.indirect_vreg.gather [hbm4b:s4+s2], $0x80, v4, vm0, $0xb8;
	[tilespmem:$0xA080] =	vst v63  }
0x3a: {  	_ = 	snop  }
0x3b: {  	[tilespmem:s13], [sflag:$0x1] =	stream.indirect_vreg.gather [hbm4b:s5+s2], $0x80, v4, vm1, $0xb8;
	[tilespmem:$0xA080] =	vst v63  }
0x3c: {  	_ = 	snop  }
0x3d: {  	[tilespmem:s14], [sflag:$0x1] =	stream.indirect_vreg.gather [hbm4b:s3+s2], $0x80, v3, vm0, $0xb8;
	[tilespmem:$0xA080] =	vst v63  }
0x3e: {  	_ = 	snop  }
0x3f: {  	[tilespmem:s15], [sflag:$0x1] =	stream.indirect_vreg.gather [hbm4b:s4+s2], $0x80, v3, vm0, $0xb8;
	[tilespmem:$0xA080] =	vst v63  }
0x40: {  	_ = 	snop  }
0x41: {  	[tilespmem:s16], [sflag:$0x1] =	stream.indirect_vreg.gather [hbm4b:s5+s2], $0x80, v3, vm1, $0xb8;
	[tilespmem:$0xA080] =	vst v63  }
0x42: {  	v3 =	vld [tilespmem:$0x20];
	_ =	sdelay $0x4  }
0x43: {  	v62 =	vshrl.u32 v3, $0x3  }
0x44: {  	v4 =	vmul.u32 $0x28, v62  }
0x45: {  	v3 =	vand.u32 $0x7, v3  }
0x46: {  	v3 =	vor.u32 v3, v4  }
0x47: {  	v4 =	vperm.xlane v3, v0;
	_ =	sdelay $0x1  }
0x48: {  	v4 =	vadd.s32 v1, v4;
	_ =	sdelay $0x3  }
0x49: {  	v3 =	vperm.xlane v3, v2  }
0x4a: {  	[tilespmem:s17], [sflag:$0x1] =	stream.indirect_vreg.gather [hbm4b:s3+s2], $0x80, v4, vm0, $0xb8;
	[tilespmem:$0xA080] =	vst v63  }
0x4b: {  	v3 =	vadd.s32 v1, v3  }
0x4c: {  	[tilespmem:s18], [sflag:$0x1] =	stream.indirect_vreg.gather [hbm4b:s4+s2], $0x80, v4, vm0, $0xb8;
	[tilespmem:$0xA080] =	vst v63  }
0x4d: {  	_ = 	snop  }
0x4e: {  	[tilespmem:s19], [sflag:$0x1] =	stream.indirect_vreg.gather [hbm4b:s5+s2], $0x80, v4, vm1, $0xb8;
	[tilespmem:$0xA080] =	vst v63  }
0x4f: {  	_ = 	snop  }
0x50: {  	[tilespmem:s20], [sflag:$0x1] =	stream.indirect_vreg.gather [hbm4b:s3+s2], $0x80, v3, vm0, $0xb8;
	[tilespmem:$0xA080] =	vst v63  }
0x51: {  	_ = 	snop  }
0x52: {  	[tilespmem:s21], [sflag:$0x1] =	stream.indirect_vreg.gather [hbm4b:s4+s2], $0x80, v3, vm0, $0xb8;
	[tilespmem:$0xA080] =	vst v63  }
0x53: {  	_ = 	snop  }
0x54: {  	[tilespmem:s22], [sflag:$0x1] =	stream.indirect_vreg.gather [hbm4b:s5+s2], $0x80, v3, vm1, $0xb8;
	[tilespmem:$0xA080] =	vst v63  }
0x55: {  	v3 =	vld [tilespmem:$0x30];
	_ =	sdelay $0x4  }
0x56: {  	v63 =	vshrl.u32 v3, $0x3  }
0x57: {  	v4 =	vmul.u32 $0x28, v63  }
0x58: {  	v3 =	vand.u32 $0x7, v3  }
0x59: {  	v3 =	vor.u32 v3, v4  }
0x5a: {  	v4 =	vperm.xlane v3, v0;
	_ =	sdelay $0x1  }
0x5b: {  	v4 =	vadd.s32 v1, v4;
	_ =	sdelay $0x3  }
0x5c: {  	v3 =	vperm.xlane v3, v2  }
0x5d: {  	[tilespmem:s23], [sflag:$0x1] =	stream.indirect_vreg.gather [hbm4b:s3+s2], $0x80, v4, vm0, $0xb8;
	[tilespmem:$0xA080] =	vst v63  }
0x5e: {  	v3 =	vadd.s32 v1, v3  }
0x5f: {  	[tilespmem:s24], [sflag:$0x1] =	stream.indirect_vreg.gather [hbm4b:s4+s2], $0x80, v4, vm0, $0xb8;
	[tilespmem:$0xA080] =	vst v63  }
0x60: {  	_ = 	snop  }
0x61: {  	[tilespmem:s25], [sflag:$0x1] =	stream.indirect_vreg.gather [hbm4b:s5+s2], $0x80, v4, vm1, $0xb8;
	[tilespmem:$0xA080] =	vst v63  }
0x62: {  	_ = 	snop  }
0x63: {  	[tilespmem:s26], [sflag:$0x1] =	stream.indirect_vreg.gather [hbm4b:s3+s2], $0x80, v3, vm0, $0xb8;
	[tilespmem:$0xA080] =	vst v63  }
0x64: {  	_ = 	snop  }
0x65: {  	[tilespmem:s28], [sflag:$0x1] =	stream.indirect_vreg.gather [hbm4b:s4+s2], $0x80, v3, vm0, $0xb8;
	[tilespmem:$0xA080] =	vst v63  }
0x66: {  	_ = 	snop  }
0x67: {  	[tilespmem:s29], [sflag:$0x1] =	stream.indirect_vreg.gather [hbm4b:s5+s2], $0x80, v3, vm1, $0xb8;
	[tilespmem:$0xA080] =	vst v63  }
0x68: {  	_ =	swait.ge [sflag:s30], $0xA000  }
0x69: {  	p0 =	sne.s32 s1, $0xB8;
	[sflag:s30] =	ssyncset.done $0x0  }
.Ltmp0:
0x6a: {  	[sflag:s30] =	ssyncadd.s32 $0xFFFF6000;
	(pc) =	sbr.rel @p0 .LBB2_2-.Ltmp0, $4  }
0x6b: {  	[hbm4b:s7+s2] =	stream.linear.scatter [tilespmem:s9], [sflag:$0x2], $0xA000, $0x38;
	[tilespmem:$0xA080] =	vst v63  }
0x6c: {  	_ =	swait.ge [sflag:s8], $0xA000  }
0x6d: {  	[sflag:s8] =	ssyncset.done $0x0  }
0x6e: {  	s1 =	sadd.s32 $0x8, s1;
	s7 =	sadd.s32 $0x1400, s7;
	[sflag:s8] =	ssyncadd.s32 $0xFFFF6000  }
0x6f: {  	s31 =	sadd.s32 $0x1, s31;
	s0 =	rddreg [dreg:$0x7]  }
0x70: {  	p0 =	sne.s32 s31, s0  }
.Ltmp1:
0x71: {  	_ = 	snop;
	(pc) =	sbr.rel @p0 .LBB2_1-.Ltmp1, $1  }
0x72: {  	_ =	sdelay $0x3  }
0x73: {  	_ =	sfence.sel $0x180000  }
0x74: {  	[bflag:$0x0] =	sbarrier.arrive $0xFFFF  }
0x75: {  	_ =	strace $0x90000047  }
0x76: {  	s0 =	stileid.u32;
	[bflag:$0x2] =	sbarrier.arrive $0xFFFF  }
0x77: {  	p0 =	sne.s32 s0, $0x0;
	s0 =	rddreg [dreg:$0x1]  }
0x78: {  	s0 =	sadd.s32 @!p0 $0x100000, s0  }
0x79: {  	[sflag:s0] =	ssyncadd.tile.s32 @!p0 $0x1;
	_ =	shalt  }
.Lfunc_end2:
_tile_overlayer_lowered:
.L_overlay_start_2:
0x7a: {  	(tag) =	ssettag $0x2  }
0x7b: {  	s0 =	rddreg [dreg:$0x0];
	s2 =	stileid.u32  }
0x7c: {  	s1 =	rddreg [dreg:$0x1];
	p0 =	sne.s32 s2, $0x0  }
0x7d: {  	s3 =	rddreg [dreg:$0x2];
	[bflag:$0x3] =	sbarrier.arrive $0xFFFF;
	s2 =	simm.s32 @!p0 $0x1C02  }
0x7e: {  	[timem:s3], [sflag:s2] =	dma.local @!p0 [hbm:s0], s1  }
0x7f: {  	s0 =	simm.s32 @!p0 $0x2  }
0x80: {  	_ =	swait.ge @!p0 [sflag:s0], s1  }
0x81: {  	s1 =	ssub.s32 @!p0 $0x0, s1;
	[sflag:s0] =	ssyncset.done @!p0 $0x0  }
0x82: {  	[sflag:s0] =	ssyncadd.s32 @!p0 s1  }
0x83: {  	[bflag:$0x3] =	sbarrier.arrive $0xFFFF  }
0x84: {  	_ =	shalt  }

</sc_bundles>
